<compile_context>
chip_gen: v7x
topology: tpu7x:2x2x1
jax: 0.10.2.dev20260603
libtpu: 0.0.44.dev20260713+nightly
codegen_flags: <defaults>
</compile_context>

<pallas_src>
import functools

import jax
import jax.numpy as jnp
from jax import lax
from jax.experimental import pallas as pl
from jax.experimental.pallas import tpu as pltpu
from jax.experimental.pallas import tpu_sc as plsc

_B, _N, _F, _D = 128, 100, 64, 64
_G = 4
_GN = _G * _N
_NGROUPS = _B // _G
_UNROLL = 8
_CH = 16
_CHN = _CH * _N
_NCHUNK = _B // _CH
_NEDGE = 1500
_LANES = 16


def _counts_body(edges_hbm, out_hbm, src_v, dst_v, acc_v):
    c = lax.axis_index("c")
    s = lax.axis_index("s")

    @pl.when(jnp.logical_and(c == 0, s == 0))
    def _():
        pltpu.sync_copy(edges_hbm.at[0], src_v)
        pltpu.sync_copy(edges_hbm.at[1], dst_v)

        zeros = jnp.zeros((_LANES,), jnp.float32)

        def zero_body(i, carry):
            for u in range(25):
                acc_v[pl.ds((i * 25 + u) * _LANES, _LANES)] = zeros
            return carry

        lax.fori_loop(0, (_N * _N) // (_LANES * 25), zero_body, 0)

        ones = jnp.full((_LANES,), 1.0, jnp.float32)
        lane = lax.iota(jnp.int32, _LANES)

        def edge_body(i, carry):
            for u in range(2):
                j = i * 2 + u
                sv = src_v[pl.ds(j * _LANES, _LANES)]
                dv = dst_v[pl.ds(j * _LANES, _LANES)]
                valid = (j * _LANES + lane) < _NEDGE
                plsc.addupdate_scatter(acc_v, [dv * _N + sv], ones,
                                       mask=valid)
            return carry

        lax.fori_loop(0, (_NEDGE + 2 * _LANES - 1) // (2 * _LANES),
                      edge_body, 0)

        def loop_body(i, carry):
            node = i * _LANES + lane
            valid = node < _N
            plsc.addupdate_scatter(acc_v, [node * (_N + 1)], ones, mask=valid)
            return carry

        lax.fori_loop(0, (_N + _LANES - 1) // _LANES, loop_body, 0)
        pltpu.sync_copy(acc_v, out_hbm)


_build_counts = functools.partial(
    pl.kernel,
    mesh=plsc.VectorSubcoreMesh(core_axis_name="c", subcore_axis_name="s"),
    out_type=jax.ShapeDtypeStruct((_N * _N,), jnp.float32),
    compiler_params=pltpu.CompilerParams(needs_layout_passes=False),
    scratch_types=[
        pltpu.VMEM((_NEDGE + 4,), jnp.int32),
        pltpu.VMEM((_NEDGE + 4,), jnp.int32),
        pltpu.VMEM((_N * _N,), jnp.float32),
    ],
)(_counts_body)


def _mm(a, b, ca, cb):
    return lax.dot_general(a, b, (((ca,), (cb,)), ((), ())),
                           precision=lax.Precision.HIGHEST,
                           preferred_element_type=jnp.float32)


def _node_mask(rows):
    r_id = lax.broadcasted_iota(jnp.int32, (rows, _N), 0)
    c_id = lax.broadcasted_iota(jnp.int32, (rows, _N), 1)
    return (lax.rem(r_id, _N) == c_id).astype(jnp.float32)


def _stripe_mask(nb, rows):
    q_id = lax.broadcasted_iota(jnp.int32, (nb, rows), 0)
    r_id = lax.broadcasted_iota(jnp.int32, (nb, rows), 1)
    return ((r_id // _N) == q_id).astype(jnp.float32)


def _fused_body(x_ref, emb_ref, c_ref, wlin_ref, ai_ref, aj_ref, aei_ref,
                aej_ref, bias_ref, g1_ref, b1_ref, g2_ref, b2_ref, ow_ref,
                obn_ref, o_ref, out_s):
    wlin = wlin_ref[:]
    att_i = ai_ref[:]
    att_j = aj_ref[:]
    bias = bias_ref[:]

    nm16 = _node_mask(_CHN)
    nm4 = nm16[:_GN, :]
    sel4 = _stripe_mask(_G, _GN)
    sel16 = _stripe_mask(_CH, _CHN)

    emb16 = _mm(nm16, emb_ref[:], 1, 0)
    emb4 = emb16[:_GN, :]
    c4 = _mm(nm4, c_ref[:], 1, 0)
    ei = _mm(emb4, aei_ref[:], 1, 1)
    ej = _mm(emb4, aej_ref[:], 1, 1)

    zstat = jnp.zeros((1, _D), jnp.float32)

    def _one_group(gidx):
        wx_g = _mm(x_ref[pl.ds(gidx * _GN, _GN), :], wlin, 1, 1)
        ai = _mm(wx_g, att_i, 1, 1) + ei
        aj_c = _mm(wx_g, att_j, 1, 1) + ej
        ajg = _mm(sel4, aj_c * nm4, 1, 0)
        aj_rep = _mm(sel4, ajg, 0, 0)
        alpha = ai + aj_rep
        alpha = jnp.where(alpha >= 0, alpha, 0.2 * alpha)
        am = jnp.max(jnp.where(c4 > 0, alpha, -1e30), axis=1, keepdims=True)
        ex = c4 * jnp.exp(jnp.minimum(alpha - am, 0.0))
        den = jnp.sum(ex, axis=1, keepdims=True)
        w = ex / (den + 1e-16)
        return wx_g, w

    def group_body(g, carry):
        s1, s2 = carry
        parts = [_one_group(_UNROLL * g + u) for u in range(_UNROLL)]
        for u, (wx_g, w) in enumerate(parts):
            base = (_UNROLL * g + u) * _GN
            out_g = jnp.concatenate(
                [_mm(w[q * _N:(q + 1) * _N, :],
                     wx_g[q * _N:(q + 1) * _N, :], 1, 0) for q in range(_G)],
                axis=0) + bias
            out_s[pl.ds(base, _GN), :] = out_g
            s1 = s1 + jnp.sum(out_g, axis=0, keepdims=True)
            s2 = s2 + jnp.sum(out_g * out_g, axis=0, keepdims=True)
        return s1, s2

    s1, s2 = lax.fori_loop(0, _NGROUPS // _UNROLL, group_body, (zstat, zstat))

    n_rows = float(_B * _N)
    mu1 = s1 / n_rows
    var1 = s2 / n_rows - mu1 * mu1
    scale1 = lax.rsqrt(var1 + 1e-5) * g1_ref[:]
    b1 = b1_ref[:]

    def bn1_body(i, carry):
        t1, t2 = carry
        base = i * _CHN
        o1 = (out_s[pl.ds(base, _CHN), :] - mu1) * scale1 + b1
        h = jnp.maximum(o1, 0.0) * emb16
        out_s[pl.ds(base, _CHN), :] = h
        t1 = t1 + jnp.sum(h, axis=0, keepdims=True)
        t2 = t2 + jnp.sum(h * h, axis=0, keepdims=True)
        return t1, t2

    t1, t2 = lax.fori_loop(0, _NCHUNK, bn1_body, (zstat, zstat))

    mu2 = t1 / n_rows
    var2 = t2 / n_rows - mu2 * mu2
    scale2 = lax.rsqrt(var2 + 1e-5) * g2_ref[:]
    b2 = b2_ref[:]
    ow = ow_ref[:]
    obn = obn_ref[:]

    def bn2_body(i, carry):
        base = i * _CHN
        h2 = jnp.maximum((out_s[pl.ds(base, _CHN), :] - mu2) * scale2 + b2,
                         0.0)
        oc = _mm(h2, ow, 1, 1)
        orows = _mm(sel16, oc * nm16, 1, 0)
        o_ref[pl.ds(i * _CH, _CH), :] = orows + obn
        return carry

    lax.fori_loop(0, _NCHUNK, bn2_body, 0)


_fused = pl.pallas_call(
    _fused_body,
    out_shape=jax.ShapeDtypeStruct((_B, _N), jnp.float32),
    scratch_shapes=[
        pltpu.VMEM((_B * _N, _D), jnp.float32),
    ],
)


def kernel(data, labels, org_edge_index, emb_table, W_lin, att_i, att_j,
           att_em_i, att_em_j, gnn_bias, bn1_gamma, bn1_beta, bn2_gamma,
           bn2_beta, out_W, out_b):
    B, N, F = data.shape

    edges = jnp.pad(org_edge_index, ((0, 0), (0, 4)))
    counts = _build_counts(edges)
    c_mat = counts.reshape(N, N)

    obn = jnp.broadcast_to(out_b.reshape(1, 1), (1, N))

    return _fused(data.reshape(B * N, F), emb_table, c_mat, W_lin,
                  att_i.reshape(1, -1), att_j.reshape(1, -1),
                  att_em_i.reshape(1, -1), att_em_j.reshape(1, -1),
                  gnn_bias.reshape(1, -1), bn1_gamma.reshape(1, -1),
                  bn1_beta.reshape(1, -1), bn2_gamma.reshape(1, -1),
                  bn2_beta.reshape(1, -1), out_W.reshape(1, -1), obn)

# --- scband reference (transcript-rebuilt; emitter-appended) ---
"""Pipeline reference for scband-causal-gat-20031727469167 (READ-ONLY COPY).

The authoritative reference and input builder live on the scoring server;
editing this copy changes nothing except your own understanding.
"""

import jax, jax.numpy as jnp
import numpy as np

BATCH, NODE_NUM, INPUT_DIM, DIM, N_EDGES = 128, 100, 64, 64, 1500


def setup_inputs(seed: int = 0):
    key = jax.random.key(seed)
    ks = jax.random.split(key, 12)
    data = jax.random.normal(ks[0], (BATCH, NODE_NUM, INPUT_DIM), dtype=jnp.float32)
    labels = jax.random.normal(ks[1], (BATCH, NODE_NUM), dtype=jnp.float32)
    dst = jax.random.randint(ks[2], (N_EDGES,), 0, NODE_NUM, dtype=jnp.int32)
    off = jax.random.randint(ks[3], (N_EDGES,), 1, NODE_NUM, dtype=jnp.int32)
    src = (dst + off) % NODE_NUM
    org_edge_index = jnp.stack([src, dst])
    s = 1.0 / np.sqrt(DIM)
    emb_table = jax.random.uniform(ks[4], (NODE_NUM, DIM), jnp.float32, -s, s)
    W_lin = jax.random.normal(ks[5], (DIM, INPUT_DIM), dtype=jnp.float32) * (1.0 / np.sqrt(INPUT_DIM))
    att_i = jax.random.normal(ks[6], (DIM,), dtype=jnp.float32) * 0.1
    att_j = jax.random.normal(ks[7], (DIM,), dtype=jnp.float32) * 0.1
    att_em_i = jax.random.normal(ks[8], (DIM,), dtype=jnp.float32) * 0.1
    att_em_j = jax.random.normal(ks[9], (DIM,), dtype=jnp.float32) * 0.1
    gnn_bias = jnp.zeros((DIM,), jnp.float32)
    bn1_gamma = jnp.ones((DIM,), jnp.float32)
    bn1_beta = jnp.zeros((DIM,), jnp.float32)
    bn2_gamma = jnp.ones((DIM,), jnp.float32)
    bn2_beta = jnp.zeros((DIM,), jnp.float32)
    out_W = jax.random.normal(ks[10], (1, DIM), dtype=jnp.float32) * (1.0 / np.sqrt(DIM))
    out_b = jnp.zeros((1,), jnp.float32)
    return {'data': data, 'labels': labels, 'org_edge_index': org_edge_index, 'emb_table': emb_table, 'W_lin': W_lin, 'att_i': att_i, 'att_j': att_j, 'att_em_i': att_em_i, 'att_em_j': att_em_j, 'gnn_bias': gnn_bias, 'bn1_gamma': bn1_gamma, 'bn1_beta': bn1_beta, 'bn2_gamma': bn2_gamma, 'bn2_beta': bn2_beta, 'out_W': out_W, 'out_b': out_b}


def reference(data, labels, org_edge_index, emb_table, W_lin, att_i, att_j, att_em_i, att_em_j, gnn_bias, bn1_gamma, bn1_beta, bn2_gamma, bn2_beta, out_W, out_b):
    B, N, F = data.shape
    D = emb_table.shape[1]
    x = data.reshape(-1, F)
    src, dst = org_edge_index[0], org_edge_index[1]
    loops = jnp.arange(N, dtype=src.dtype)
    src = jnp.concatenate([src, loops])
    dst = jnp.concatenate([dst, loops])
    E = src.shape[0]
    offsets = jnp.repeat(jnp.arange(B, dtype=src.dtype) * N, E)
    src_b = jnp.tile(src, B) + offsets
    dst_b = jnp.tile(dst, B) + offsets
    emb_all = jnp.tile(emb_table, (B, 1))
    Wx = x @ W_lin.T
    alpha = (Wx[dst_b] * att_i).sum(-1) + (emb_all[dst_b] * att_em_i).sum(-1) + (Wx[src_b] * att_j).sum(-1) + (emb_all[src_b] * att_em_j).sum(-1)
    alpha = jax.nn.leaky_relu(alpha, 0.2)
    nseg = B * N
    amax = jax.ops.segment_max(alpha, dst_b, num_segments=nseg)
    ex = jnp.exp(alpha - amax[dst_b])
    denom = jax.ops.segment_sum(ex, dst_b, num_segments=nseg)
    w = ex / (denom[dst_b] + 1e-16)
    out = jax.ops.segment_sum(Wx[src_b] * w[:, None], dst_b, num_segments=nseg)
    out = out + gnn_bias
    mu = out.mean(0)
    var = out.var(0)
    out = (out - mu) / jnp.sqrt(var + 1e-5) * bn1_gamma + bn1_beta
    out = jax.nn.relu(out)
    h = out.reshape(B, N, D) * emb_table[None, :, :]
    mu2 = h.mean(axis=(0, 1))
    var2 = h.var(axis=(0, 1))
    h = (h - mu2) / jnp.sqrt(var2 + 1e-5) * bn2_gamma + bn2_beta
    h = jax.nn.relu(h)
    o = h @ out_W.T + out_b
    return o.reshape(-1, N)

if __name__ == "__main__":
    import jax
    _d = setup_inputs()
    print(jax.jit(kernel)(*tuple(_d.values())))

</pallas_src>

<mosaic_0001>
#map = affine_map<(d0, d1) -> (0, 0)>
#map1 = affine_map<(d0, d1) -> (0)>
module attributes {stable_mosaic.version = 14 : i64} {
  func.func @_counts_body(%arg0: i32, %arg1: i32, %arg2: memref<2x1504xi32, #tpu.memory_space<hbm>>, %arg3: memref<10000xf32, #tpu.memory_space<hbm>>, %arg4: memref<1504xi32, #tpu.memory_space<vmem>>, %arg5: memref<1504xi32, #tpu.memory_space<vmem>>, %arg6: memref<10000xf32, #tpu.memory_space<vmem>>) attributes {dimension_semantics = [#tpu.dimension_semantics<core_parallel>, #tpu.dimension_semantics<subcore_parallel>], iteration_bounds = array<i64: 2, 16>, scalar_prefetch = 0 : i64, scratch_operands = 3 : i64, tpu.core_type = #tpu.core_type<sc_vector_subcore>, window_params = [{transform_indices = #map}, {transform_indices = #map1}]} {
    %eq3A = arith.constant 0 : i32
    %eq3A_0 = arith.cmpi eq, %arg0, %eq3A : i32
    %eq3A_1 = arith.constant 0 : i32
    %eq3A_2 = arith.cmpi eq, %arg1, %eq3A_1 : i32
    %and3A = arith.andi %eq3A_0, %eq3A_2 : i1
    %convert_element_type3A = arith.extui %and3A : i1 to i32
    %cond3A = arith.constant 0 : i32
    %cond3A_3 = arith.cmpi ne, %convert_element_type3A, %cond3A : i32
    scf.if %cond3A_3 {
      %run_scoped3A = arith.constant 0 : i32
      "tpu.region"() ({
        %run_scoped3A_25 = tpu.sem_alloc : memref<!tpu.dma_semaphore, #tpu.memory_space<semaphore_mem>>
        %dma_start3A = arith.constant 0 : i32
        %dma_start3A_26 = tpu.memref_slice %arg2[%run_scoped3A, %dma_start3A] : memref<2x1504xi32, #tpu.memory_space<hbm>> -> memref<1x1504xi32, #tpu.memory_space<hbm>>
        %dma_start3A_27 = tpu.memref_squeeze %dma_start3A_26 : memref<1x1504xi32, #tpu.memory_space<hbm>> -> memref<1504xi32, #tpu.memory_space<hbm>>
        %dma_start3A_28 = arith.constant 0 : i32
        %dma_start3A_29 = tpu.memref_slice %arg2[%run_scoped3A, %dma_start3A_28] : memref<2x1504xi32, #tpu.memory_space<hbm>> -> memref<1x1504xi32, #tpu.memory_space<hbm>>
        %dma_start3A_30 = tpu.memref_squeeze %dma_start3A_29 : memref<1x1504xi32, #tpu.memory_space<hbm>> -> memref<1504xi32, #tpu.memory_space<hbm>>
        tpu.enqueue_dma source(%dma_start3A_30 : memref<1504xi32, #tpu.memory_space<hbm>>) target(%arg4 : memref<1504xi32, #tpu.memory_space<vmem>>) target_semaphore(%run_scoped3A_25 : memref<!tpu.dma_semaphore, #tpu.memory_space<semaphore_mem>>)
        %dma_wait3A = arith.constant 0 : i32
        %dma_wait3A_31 = tpu.memref_slice %arg2[%run_scoped3A, %dma_wait3A] : memref<2x1504xi32, #tpu.memory_space<hbm>> -> memref<1x1504xi32, #tpu.memory_space<hbm>>
        %dma_wait3A_32 = tpu.memref_squeeze %dma_wait3A_31 : memref<1x1504xi32, #tpu.memory_space<hbm>> -> memref<1504xi32, #tpu.memory_space<hbm>>
        %dma_wait3A_33 = arith.constant 0 : i32
        %dma_wait3A_34 = tpu.memref_slice %arg2[%run_scoped3A, %dma_wait3A_33] : memref<2x1504xi32, #tpu.memory_space<hbm>> -> memref<1x1504xi32, #tpu.memory_space<hbm>>
        %dma_wait3A_35 = tpu.memref_squeeze %dma_wait3A_34 : memref<1x1504xi32, #tpu.memory_space<hbm>> -> memref<1504xi32, #tpu.memory_space<hbm>>
        tpu.wait_dma2 semaphore(%run_scoped3A_25 : memref<!tpu.dma_semaphore, #tpu.memory_space<semaphore_mem>>) src(%dma_wait3A_35 : memref<1504xi32, #tpu.memory_space<hbm>>) dst(%arg4 : memref<1504xi32, #tpu.memory_space<vmem>>)
        tpu.yield
      }) : () -> ()
      %run_scoped3A_4 = arith.constant 1 : i32
      "tpu.region"() ({
        %run_scoped3A_25 = tpu.sem_alloc : memref<!tpu.dma_semaphore, #tpu.memory_space<semaphore_mem>>
        %dma_start3A = arith.constant 0 : i32
        %dma_start3A_26 = tpu.memref_slice %arg2[%run_scoped3A_4, %dma_start3A] : memref<2x1504xi32, #tpu.memory_space<hbm>> -> memref<1x1504xi32, #tpu.memory_space<hbm>>
        %dma_start3A_27 = tpu.memref_squeeze %dma_start3A_26 : memref<1x1504xi32, #tpu.memory_space<hbm>> -> memref<1504xi32, #tpu.memory_space<hbm>>
        %dma_start3A_28 = arith.constant 0 : i32
        %dma_start3A_29 = tpu.memref_slice %arg2[%run_scoped3A_4, %dma_start3A_28] : memref<2x1504xi32, #tpu.memory_space<hbm>> -> memref<1x1504xi32, #tpu.memory_space<hbm>>
        %dma_start3A_30 = tpu.memref_squeeze %dma_start3A_29 : memref<1x1504xi32, #tpu.memory_space<hbm>> -> memref<1504xi32, #tpu.memory_space<hbm>>
        tpu.enqueue_dma source(%dma_start3A_30 : memref<1504xi32, #tpu.memory_space<hbm>>) target(%arg5 : memref<1504xi32, #tpu.memory_space<vmem>>) target_semaphore(%run_scoped3A_25 : memref<!tpu.dma_semaphore, #tpu.memory_space<semaphore_mem>>)
        %dma_wait3A = arith.constant 0 : i32
        %dma_wait3A_31 = tpu.memref_slice %arg2[%run_scoped3A_4, %dma_wait3A] : memref<2x1504xi32, #tpu.memory_space<hbm>> -> memref<1x1504xi32, #tpu.memory_space<hbm>>
        %dma_wait3A_32 = tpu.memref_squeeze %dma_wait3A_31 : memref<1x1504xi32, #tpu.memory_space<hbm>> -> memref<1504xi32, #tpu.memory_space<hbm>>
        %dma_wait3A_33 = arith.constant 0 : i32
        %dma_wait3A_34 = tpu.memref_slice %arg2[%run_scoped3A_4, %dma_wait3A_33] : memref<2x1504xi32, #tpu.memory_space<hbm>> -> memref<1x1504xi32, #tpu.memory_space<hbm>>
        %dma_wait3A_35 = tpu.memref_squeeze %dma_wait3A_34 : memref<1x1504xi32, #tpu.memory_space<hbm>> -> memref<1504xi32, #tpu.memory_space<hbm>>
        tpu.wait_dma2 semaphore(%run_scoped3A_25 : memref<!tpu.dma_semaphore, #tpu.memory_space<semaphore_mem>>) src(%dma_wait3A_35 : memref<1504xi32, #tpu.memory_space<hbm>>) dst(%arg5 : memref<1504xi32, #tpu.memory_space<vmem>>)
        tpu.yield
      }) : () -> ()
      %broadcast_in_dim3A = arith.constant 0.000000e+00 : f32
      %broadcast_in_dim3A_5 = vector.broadcast %broadcast_in_dim3A : f32 to vector<16xf32>
      %scan3A = arith.constant 0 : i32
      %scan3A_6 = arith.constant 0 : i32
      %scan3A_7 = arith.constant 25 : i32
      %scan3A_8 = arith.addi %scan3A_6, %scan3A_7 : i32
      %scan3A_9 = arith.constant 1 : i32
      scf.for %scan3A_25 = %scan3A_6 to %scan3A_8 step %scan3A_9  : i32 {
        %mul3A = arith.constant 25 : i32
        %mul3A_26 = arith.muli %scan3A_25, %mul3A : i32
        %add3A = arith.constant 0 : i32
        %add3A_27 = arith.addi %mul3A_26, %add3A : i32
        %mul3A_28 = arith.constant 16 : i32
        %mul3A_29 = arith.muli %add3A_27, %mul3A_28 : i32
        %swap3A = arith.index_cast %mul3A_29 : i32 to index
        %swap3A_30 = tpu.vector_load %arg6[%swap3A] {strides = array<i32>} : memref<10000xf32, #tpu.memory_space<vmem>>, vector<16xf32>,
        tpu.vector_store %arg6[%swap3A], %broadcast_in_dim3A_5 {strides = array<i32>} : memref<10000xf32, #tpu.memory_space<vmem>>, vector<16xf32>,
        %mul3A_31 = arith.constant 25 : i32
        %mul3A_32 = arith.muli %scan3A_25, %mul3A_31 : i32
        %add3A_33 = arith.constant 1 : i32
        %add3A_34 = arith.addi %mul3A_32, %add3A_33 : i32
        %mul3A_35 = arith.constant 16 : i32
        %mul3A_36 = arith.muli %add3A_34, %mul3A_35 : i32
        %swap3A_37 = arith.index_cast %mul3A_36 : i32 to index
        %swap3A_38 = tpu.vector_load %arg6[%swap3A_37] {strides = array<i32>} : memref<10000xf32, #tpu.memory_space<vmem>>, vector<16xf32>,
        tpu.vector_store %arg6[%swap3A_37], %broadcast_in_dim3A_5 {strides = array<i32>} : memref<10000xf32, #tpu.memory_space<vmem>>, vector<16xf32>,
        %mul3A_39 = arith.constant 25 : i32
        %mul3A_40 = arith.muli %scan3A_25, %mul3A_39 : i32
        %add3A_41 = arith.constant 2 : i32
        %add3A_42 = arith.addi %mul3A_40, %add3A_41 : i32
        %mul3A_43 = arith.constant 16 : i32
        %mul3A_44 = arith.muli %add3A_42, %mul3A_43 : i32
        %swap3A_45 = arith.index_cast %mul3A_44 : i32 to index
        %swap3A_46 = tpu.vector_load %arg6[%swap3A_45] {strides = array<i32>} : memref<10000xf32, #tpu.memory_space<vmem>>, vector<16xf32>,
        tpu.vector_store %arg6[%swap3A_45], %broadcast_in_dim3A_5 {strides = array<i32>} : memref<10000xf32, #tpu.memory_space<vmem>>, vector<16xf32>,
        %mul3A_47 = arith.constant 25 : i32
        %mul3A_48 = arith.muli %scan3A_25, %mul3A_47 : i32
        %add3A_49 = arith.constant 3 : i32
        %add3A_50 = arith.addi %mul3A_48, %add3A_49 : i32
        %mul3A_51 = arith.constant 16 : i32
        %mul3A_52 = arith.muli %add3A_50, %mul3A_51 : i32
        %swap3A_53 = arith.index_cast %mul3A_52 : i32 to index
        %swap3A_54 = tpu.vector_load %arg6[%swap3A_53] {strides = array<i32>} : memref<10000xf32, #tpu.memory_space<vmem>>, vector<16xf32>,
        tpu.vector_store %arg6[%swap3A_53], %broadcast_in_dim3A_5 {strides = array<i32>} : memref<10000xf32, #tpu.memory_space<vmem>>, vector<16xf32>,
        %mul3A_55 = arith.constant 25 : i32
        %mul3A_56 = arith.muli %scan3A_25, %mul3A_55 : i32
        %add3A_57 = arith.constant 4 : i32
        %add3A_58 = arith.addi %mul3A_56, %add3A_57 : i32
        %mul3A_59 = arith.constant 16 : i32
        %mul3A_60 = arith.muli %add3A_58, %mul3A_59 : i32
        %swap3A_61 = arith.index_cast %mul3A_60 : i32 to index
        %swap3A_62 = tpu.vector_load %arg6[%swap3A_61] {strides = array<i32>} : memref<10000xf32, #tpu.memory_space<vmem>>, vector<16xf32>,
        tpu.vector_store %arg6[%swap3A_61], %broadcast_in_dim3A_5 {strides = array<i32>} : memref<10000xf32, #tpu.memory_space<vmem>>, vector<16xf32>,
        %mul3A_63 = arith.constant 25 : i32
        %mul3A_64 = arith.muli %scan3A_25, %mul3A_63 : i32
        %add3A_65 = arith.constant 5 : i32
        %add3A_66 = arith.addi %mul3A_64, %add3A_65 : i32
        %mul3A_67 = arith.constant 16 : i32
        %mul3A_68 = arith.muli %add3A_66, %mul3A_67 : i32
        %swap3A_69 = arith.index_cast %mul3A_68 : i32 to index
        %swap3A_70 = tpu.vector_load %arg6[%swap3A_69] {strides = array<i32>} : memref<10000xf32, #tpu.memory_space<vmem>>, vector<16xf32>,
        tpu.vector_store %arg6[%swap3A_69], %broadcast_in_dim3A_5 {strides = array<i32>} : memref<10000xf32, #tpu.memory_space<vmem>>, vector<16xf32>,
        %mul3A_71 = arith.constant 25 : i32
        %mul3A_72 = arith.muli %scan3A_25, %mul3A_71 : i32
        %add3A_73 = arith.constant 6 : i32
        %add3A_74 = arith.addi %mul3A_72, %add3A_73 : i32
        %mul3A_75 = arith.constant 16 : i32
        %mul3A_76 = arith.muli %add3A_74, %mul3A_75 : i32
        %swap3A_77 = arith.index_cast %mul3A_76 : i32 to index
        %swap3A_78 = tpu.vector_load %arg6[%swap3A_77] {strides = array<i32>} : memref<10000xf32, #tpu.memory_space<vmem>>, vector<16xf32>,
        tpu.vector_store %arg6[%swap3A_77], %broadcast_in_dim3A_5 {strides = array<i32>} : memref<10000xf32, #tpu.memory_space<vmem>>, vector<16xf32>,
        %mul3A_79 = arith.constant 25 : i32
        %mul3A_80 = arith.muli %scan3A_25, %mul3A_79 : i32
        %add3A_81 = arith.constant 7 : i32
        %add3A_82 = arith.addi %mul3A_80, %add3A_81 : i32
        %mul3A_83 = arith.constant 16 : i32
        %mul3A_84 = arith.muli %add3A_82, %mul3A_83 : i32
        %swap3A_85 = arith.index_cast %mul3A_84 : i32 to index
        %swap3A_86 = tpu.vector_load %arg6[%swap3A_85] {strides = array<i32>} : memref<10000xf32, #tpu.memory_space<vmem>>, vector<16xf32>,
        tpu.vector_store %arg6[%swap3A_85], %broadcast_in_dim3A_5 {strides = array<i32>} : memref<10000xf32, #tpu.memory_space<vmem>>, vector<16xf32>,
        %mul3A_87 = arith.constant 25 : i32
        %mul3A_88 = arith.muli %scan3A_25, %mul3A_87 : i32
        %add3A_89 = arith.constant 8 : i32
        %add3A_90 = arith.addi %mul3A_88, %add3A_89 : i32
        %mul3A_91 = arith.constant 16 : i32
        %mul3A_92 = arith.muli %add3A_90, %mul3A_91 : i32
        %swap3A_93 = arith.index_cast %mul3A_92 : i32 to index
        %swap3A_94 = tpu.vector_load %arg6[%swap3A_93] {strides = array<i32>} : memref<10000xf32, #tpu.memory_space<vmem>>, vector<16xf32>,
        tpu.vector_store %arg6[%swap3A_93], %broadcast_in_dim3A_5 {strides = array<i32>} : memref<10000xf32, #tpu.memory_space<vmem>>, vector<16xf32>,
        %mul3A_95 = arith.constant 25 : i32
        %mul3A_96 = arith.muli %scan3A_25, %mul3A_95 : i32
        %add3A_97 = arith.constant 9 : i32
        %add3A_98 = arith.addi %mul3A_96, %add3A_97 : i32
        %mul3A_99 = arith.constant 16 : i32
        %mul3A_100 = arith.muli %add3A_98, %mul3A_99 : i32
        %swap3A_101 = arith.index_cast %mul3A_100 : i32 to index
        %swap3A_102 = tpu.vector_load %arg6[%swap3A_101] {strides = array<i32>} : memref<10000xf32, #tpu.memory_space<vmem>>, vector<16xf32>,
        tpu.vector_store %arg6[%swap3A_101], %broadcast_in_dim3A_5 {strides = array<i32>} : memref<10000xf32, #tpu.memory_space<vmem>>, vector<16xf32>,
        %mul3A_103 = arith.constant 25 : i32
        %mul3A_104 = arith.muli %scan3A_25, %mul3A_103 : i32
        %add3A_105 = arith.constant 10 : i32
        %add3A_106 = arith.addi %mul3A_104, %add3A_105 : i32
        %mul3A_107 = arith.constant 16 : i32
        %mul3A_108 = arith.muli %add3A_106, %mul3A_107 : i32
        %swap3A_109 = arith.index_cast %mul3A_108 : i32 to index
        %swap3A_110 = tpu.vector_load %arg6[%swap3A_109] {strides = array<i32>} : memref<10000xf32, #tpu.memory_space<vmem>>, vector<16xf32>,
        tpu.vector_store %arg6[%swap3A_109], %broadcast_in_dim3A_5 {strides = array<i32>} : memref<10000xf32, #tpu.memory_space<vmem>>, vector<16xf32>,
        %mul3A_111 = arith.constant 25 : i32
        %mul3A_112 = arith.muli %scan3A_25, %mul3A_111 : i32
        %add3A_113 = arith.constant 11 : i32
        %add3A_114 = arith.addi %mul3A_112, %add3A_113 : i32
        %mul3A_115 = arith.constant 16 : i32
        %mul3A_116 = arith.muli %add3A_114, %mul3A_115 : i32
        %swap3A_117 = arith.index_cast %mul3A_116 : i32 to index
        %swap3A_118 = tpu.vector_load %arg6[%swap3A_117] {strides = array<i32>} : memref<10000xf32, #tpu.memory_space<vmem>>, vector<16xf32>,
        tpu.vector_store %arg6[%swap3A_117], %broadcast_in_dim3A_5 {strides = array<i32>} : memref<10000xf32, #tpu.memory_space<vmem>>, vector<16xf32>,
        %mul3A_119 = arith.constant 25 : i32
        %mul3A_120 = arith.muli %scan3A_25, %mul3A_119 : i32
        %add3A_121 = arith.constant 12 : i32
        %add3A_122 = arith.addi %mul3A_120, %add3A_121 : i32
        %mul3A_123 = arith.constant 16 : i32
        %mul3A_124 = arith.muli %add3A_122, %mul3A_123 : i32
        %swap3A_125 = arith.index_cast %mul3A_124 : i32 to index
        %swap3A_126 = tpu.vector_load %arg6[%swap3A_125] {strides = array<i32>} : memref<10000xf32, #tpu.memory_space<vmem>>, vector<16xf32>,
        tpu.vector_store %arg6[%swap3A_125], %broadcast_in_dim3A_5 {strides = array<i32>} : memref<10000xf32, #tpu.memory_space<vmem>>, vector<16xf32>,
        %mul3A_127 = arith.constant 25 : i32
        %mul3A_128 = arith.muli %scan3A_25, %mul3A_127 : i32
        %add3A_129 = arith.constant 13 : i32
        %add3A_130 = arith.addi %mul3A_128, %add3A_129 : i32
        %mul3A_131 = arith.constant 16 : i32
        %mul3A_132 = arith.muli %add3A_130, %mul3A_131 : i32
        %swap3A_133 = arith.index_cast %mul3A_132 : i32 to index
        %swap3A_134 = tpu.vector_load %arg6[%swap3A_133] {strides = array<i32>} : memref<10000xf32, #tpu.memory_space<vmem>>, vector<16xf32>,
        tpu.vector_store %arg6[%swap3A_133], %broadcast_in_dim3A_5 {strides = array<i32>} : memref<10000xf32, #tpu.memory_space<vmem>>, vector<16xf32>,
        %mul3A_135 = arith.constant 25 : i32
        %mul3A_136 = arith.muli %scan3A_25, %mul3A_135 : i32
        %add3A_137 = arith.constant 14 : i32
        %add3A_138 = arith.addi %mul3A_136, %add3A_137 : i32
        %mul3A_139 = arith.constant 16 : i32
        %mul3A_140 = arith.muli %add3A_138, %mul3A_139 : i32
        %swap3A_141 = arith.index_cast %mul3A_140 : i32 to index
        %swap3A_142 = tpu.vector_load %arg6[%swap3A_141] {strides = array<i32>} : memref<10000xf32, #tpu.memory_space<vmem>>, vector<16xf32>,
        tpu.vector_store %arg6[%swap3A_141], %broadcast_in_dim3A_5 {strides = array<i32>} : memref<10000xf32, #tpu.memory_space<vmem>>, vector<16xf32>,
        %mul3A_143 = arith.constant 25 : i32
        %mul3A_144 = arith.muli %scan3A_25, %mul3A_143 : i32
        %add3A_145 = arith.constant 15 : i32
        %add3A_146 = arith.addi %mul3A_144, %add3A_145 : i32
        %mul3A_147 = arith.constant 16 : i32
        %mul3A_148 = arith.muli %add3A_146, %mul3A_147 : i32
        %swap3A_149 = arith.index_cast %mul3A_148 : i32 to index
        %swap3A_150 = tpu.vector_load %arg6[%swap3A_149] {strides = array<i32>} : memref<10000xf32, #tpu.memory_space<vmem>>, vector<16xf32>,
        tpu.vector_store %arg6[%swap3A_149], %broadcast_in_dim3A_5 {strides = array<i32>} : memref<10000xf32, #tpu.memory_space<vmem>>, vector<16xf32>,
        %mul3A_151 = arith.constant 25 : i32
        %mul3A_152 = arith.muli %scan3A_25, %mul3A_151 : i32
        %add3A_153 = arith.constant 16 : i32
        %add3A_154 = arith.addi %mul3A_152, %add3A_153 : i32
        %mul3A_155 = arith.constant 16 : i32
        %mul3A_156 = arith.muli %add3A_154, %mul3A_155 : i32
        %swap3A_157 = arith.index_cast %mul3A_156 : i32 to index
        %swap3A_158 = tpu.vector_load %arg6[%swap3A_157] {strides = array<i32>} : memref<10000xf32, #tpu.memory_space<vmem>>, vector<16xf32>,
        tpu.vector_store %arg6[%swap3A_157], %broadcast_in_dim3A_5 {strides = array<i32>} : memref<10000xf32, #tpu.memory_space<vmem>>, vector<16xf32>,
        %mul3A_159 = arith.constant 25 : i32
        %mul3A_160 = arith.muli %scan3A_25, %mul3A_159 : i32
        %add3A_161 = arith.constant 17 : i32
        %add3A_162 = arith.addi %mul3A_160, %add3A_161 : i32
        %mul3A_163 = arith.constant 16 : i32
        %mul3A_164 = arith.muli %add3A_162, %mul3A_163 : i32
        %swap3A_165 = arith.index_cast %mul3A_164 : i32 to index
        %swap3A_166 = tpu.vector_load %arg6[%swap3A_165] {strides = array<i32>} : memref<10000xf32, #tpu.memory_space<vmem>>, vector<16xf32>,
        tpu.vector_store %arg6[%swap3A_165], %broadcast_in_dim3A_5 {strides = array<i32>} : memref<10000xf32, #tpu.memory_space<vmem>>, vector<16xf32>,
        %mul3A_167 = arith.constant 25 : i32
        %mul3A_168 = arith.muli %scan3A_25, %mul3A_167 : i32
        %add3A_169 = arith.constant 18 : i32
        %add3A_170 = arith.addi %mul3A_168, %add3A_169 : i32
        %mul3A_171 = arith.constant 16 : i32
        %mul3A_172 = arith.muli %add3A_170, %mul3A_171 : i32
        %swap3A_173 = arith.index_cast %mul3A_172 : i32 to index
        %swap3A_174 = tpu.vector_load %arg6[%swap3A_173] {strides = array<i32>} : memref<10000xf32, #tpu.memory_space<vmem>>, vector<16xf32>,
        tpu.vector_store %arg6[%swap3A_173], %broadcast_in_dim3A_5 {strides = array<i32>} : memref<10000xf32, #tpu.memory_space<vmem>>, vector<16xf32>,
        %mul3A_175 = arith.constant 25 : i32
        %mul3A_176 = arith.muli %scan3A_25, %mul3A_175 : i32
        %add3A_177 = arith.constant 19 : i32
        %add3A_178 = arith.addi %mul3A_176, %add3A_177 : i32
        %mul3A_179 = arith.constant 16 : i32
        %mul3A_180 = arith.muli %add3A_178, %mul3A_179 : i32
        %swap3A_181 = arith.index_cast %mul3A_180 : i32 to index
        %swap3A_182 = tpu.vector_load %arg6[%swap3A_181] {strides = array<i32>} : memref<10000xf32, #tpu.memory_space<vmem>>, vector<16xf32>,
        tpu.vector_store %arg6[%swap3A_181], %broadcast_in_dim3A_5 {strides = array<i32>} : memref<10000xf32, #tpu.memory_space<vmem>>, vector<16xf32>,
        %mul3A_183 = arith.constant 25 : i32
        %mul3A_184 = arith.muli %scan3A_25, %mul3A_183 : i32
        %add3A_185 = arith.constant 20 : i32
        %add3A_186 = arith.addi %mul3A_184, %add3A_185 : i32
        %mul3A_187 = arith.constant 16 : i32
        %mul3A_188 = arith.muli %add3A_186, %mul3A_187 : i32
        %swap3A_189 = arith.index_cast %mul3A_188 : i32 to index
        %swap3A_190 = tpu.vector_load %arg6[%swap3A_189] {strides = array<i32>} : memref<10000xf32, #tpu.memory_space<vmem>>, vector<16xf32>,
        tpu.vector_store %arg6[%swap3A_189], %broadcast_in_dim3A_5 {strides = array<i32>} : memref<10000xf32, #tpu.memory_space<vmem>>, vector<16xf32>,
        %mul3A_191 = arith.constant 25 : i32
        %mul3A_192 = arith.muli %scan3A_25, %mul3A_191 : i32
        %add3A_193 = arith.constant 21 : i32
        %add3A_194 = arith.addi %mul3A_192, %add3A_193 : i32
        %mul3A_195 = arith.constant 16 : i32
        %mul3A_196 = arith.muli %add3A_194, %mul3A_195 : i32
        %swap3A_197 = arith.index_cast %mul3A_196 : i32 to index
        %swap3A_198 = tpu.vector_load %arg6[%swap3A_197] {strides = array<i32>} : memref<10000xf32, #tpu.memory_space<vmem>>, vector<16xf32>,
        tpu.vector_store %arg6[%swap3A_197], %broadcast_in_dim3A_5 {strides = array<i32>} : memref<10000xf32, #tpu.memory_space<vmem>>, vector<16xf32>,
        %mul3A_199 = arith.constant 25 : i32
        %mul3A_200 = arith.muli %scan3A_25, %mul3A_199 : i32
        %add3A_201 = arith.constant 22 : i32
        %add3A_202 = arith.addi %mul3A_200, %add3A_201 : i32
        %mul3A_203 = arith.constant 16 : i32
        %mul3A_204 = arith.muli %add3A_202, %mul3A_203 : i32
        %swap3A_205 = arith.index_cast %mul3A_204 : i32 to index
        %swap3A_206 = tpu.vector_load %arg6[%swap3A_205] {strides = array<i32>} : memref<10000xf32, #tpu.memory_space<vmem>>, vector<16xf32>,
        tpu.vector_store %arg6[%swap3A_205], %broadcast_in_dim3A_5 {strides = array<i32>} : memref<10000xf32, #tpu.memory_space<vmem>>, vector<16xf32>,
        %mul3A_207 = arith.constant 25 : i32
        %mul3A_208 = arith.muli %scan3A_25, %mul3A_207 : i32
        %add3A_209 = arith.constant 23 : i32
        %add3A_210 = arith.addi %mul3A_208, %add3A_209 : i32
        %mul3A_211 = arith.constant 16 : i32
        %mul3A_212 = arith.muli %add3A_210, %mul3A_211 : i32
        %swap3A_213 = arith.index_cast %mul3A_212 : i32 to index
        %swap3A_214 = tpu.vector_load %arg6[%swap3A_213] {strides = array<i32>} : memref<10000xf32, #tpu.memory_space<vmem>>, vector<16xf32>,
        tpu.vector_store %arg6[%swap3A_213], %broadcast_in_dim3A_5 {strides = array<i32>} : memref<10000xf32, #tpu.memory_space<vmem>>, vector<16xf32>,
        %mul3A_215 = arith.constant 25 : i32
        %mul3A_216 = arith.muli %scan3A_25, %mul3A_215 : i32
        %add3A_217 = arith.constant 24 : i32
        %add3A_218 = arith.addi %mul3A_216, %add3A_217 : i32
        %mul3A_219 = arith.constant 16 : i32
        %mul3A_220 = arith.muli %add3A_218, %mul3A_219 : i32
        %swap3A_221 = arith.index_cast %mul3A_220 : i32 to index
        %swap3A_222 = tpu.vector_load %arg6[%swap3A_221] {strides = array<i32>} : memref<10000xf32, #tpu.memory_space<vmem>>, vector<16xf32>,
        tpu.vector_store %arg6[%swap3A_221], %broadcast_in_dim3A_5 {strides = array<i32>} : memref<10000xf32, #tpu.memory_space<vmem>>, vector<16xf32>,
      }
      %scan3A_10 = arith.constant 25 : i32
      %broadcast_in_dim3A_11 = arith.constant 1.000000e+00 : f32
      %broadcast_in_dim3A_12 = vector.broadcast %broadcast_in_dim3A_11 : f32 to vector<16xf32>
      %iota3A = tpu.iota {dimensions = array<i32: 0>} : vector<16xi32>
      %scan3A_13 = arith.constant 0 : i32
      %scan3A_14 = arith.constant 0 : i32
      %scan3A_15 = arith.constant 47 : i32
      %scan3A_16 = arith.addi %scan3A_14, %scan3A_15 : i32
      %scan3A_17 = arith.constant 1 : i32
      scf.for %scan3A_25 = %scan3A_14 to %scan3A_16 step %scan3A_17  : i32 {
        %mul3A = arith.constant 2 : i32
        %mul3A_26 = arith.muli %scan3A_25, %mul3A : i32
        %add3A = arith.constant 0 : i32
        %add3A_27 = arith.addi %mul3A_26, %add3A : i32
        %mul3A_28 = arith.constant 16 : i32
        %mul3A_29 = arith.muli %add3A_27, %mul3A_28 : i32
        %get3A = arith.index_cast %mul3A_29 : i32 to index
        %get3A_30 = tpu.vector_load %arg4[%get3A] {strides = array<i32>} : memref<1504xi32, #tpu.memory_space<vmem>>, vector<16xi32>,
        %mul3A_31 = arith.constant 16 : i32
        %mul3A_32 = arith.muli %add3A_27, %mul3A_31 : i32
        %get3A_33 = arith.index_cast %mul3A_32 : i32 to index
        %get3A_34 = tpu.vector_load %arg5[%get3A_33] {strides = array<i32>} : memref<1504xi32, #tpu.memory_space<vmem>>, vector<16xi32>,
        %mul3A_35 = arith.constant 16 : i32
        %mul3A_36 = arith.muli %add3A_27, %mul3A_35 : i32
        %add3A_37 = vector.broadcast %mul3A_36 : i32 to vector<16xi32>
        %add3A_38 = arith.addi %add3A_37, %iota3A : vector<16xi32>
        %lt3A = arith.constant 1500 : i32
        %lt3A_39 = vector.broadcast %lt3A : i32 to vector<16xi32>
        %lt3A_40 = arith.cmpi slt, %add3A_38, %lt3A_39 : vector<16xi32>
        %mul3A_41 = arith.constant 100 : i32
        %mul3A_42 = vector.broadcast %mul3A_41 : i32 to vector<16xi32>
        %mul3A_43 = arith.muli %get3A_34, %mul3A_42 : vector<16xi32>
        %add3A_44 = arith.addi %mul3A_43, %get3A_30 : vector<16xi32>
        tpu.vector_store_idx %arg6[%add3A_44], %broadcast_in_dim3A_12 masked %lt3A_40 {add = true} : memref<10000xf32, #tpu.memory_space<vmem>>[vector<16xi32>], vector<16xf32>, vector<16xi1>
        %mul3A_45 = arith.constant 2 : i32
        %mul3A_46 = arith.muli %scan3A_25, %mul3A_45 : i32
        %add3A_47 = arith.constant 1 : i32
        %add3A_48 = arith.addi %mul3A_46, %add3A_47 : i32
        %mul3A_49 = arith.constant 16 : i32
        %mul3A_50 = arith.muli %add3A_48, %mul3A_49 : i32
        %get3A_51 = arith.index_cast %mul3A_50 : i32 to index
        %get3A_52 = tpu.vector_load %arg4[%get3A_51] {strides = array<i32>} : memref<1504xi32, #tpu.memory_space<vmem>>, vector<16xi32>,
        %mul3A_53 = arith.constant 16 : i32
        %mul3A_54 = arith.muli %add3A_48, %mul3A_53 : i32
        %get3A_55 = arith.index_cast %mul3A_54 : i32 to index
        %get3A_56 = tpu.vector_load %arg5[%get3A_55] {strides = array<i32>} : memref<1504xi32, #tpu.memory_space<vmem>>, vector<16xi32>,
        %mul3A_57 = arith.constant 16 : i32
        %mul3A_58 = arith.muli %add3A_48, %mul3A_57 : i32
        %add3A_59 = vector.broadcast %mul3A_58 : i32 to vector<16xi32>
        %add3A_60 = arith.addi %add3A_59, %iota3A : vector<16xi32>
        %lt3A_61 = arith.constant 1500 : i32
        %lt3A_62 = vector.broadcast %lt3A_61 : i32 to vector<16xi32>
        %lt3A_63 = arith.cmpi slt, %add3A_60, %lt3A_62 : vector<16xi32>
        %mul3A_64 = arith.constant 100 : i32
        %mul3A_65 = vector.broadcast %mul3A_64 : i32 to vector<16xi32>
        %mul3A_66 = arith.muli %get3A_56, %mul3A_65 : vector<16xi32>
        %add3A_67 = arith.addi %mul3A_66, %get3A_52 : vector<16xi32>
        tpu.vector_store_idx %arg6[%add3A_67], %broadcast_in_dim3A_12 masked %lt3A_63 {add = true} : memref<10000xf32, #tpu.memory_space<vmem>>[vector<16xi32>], vector<16xf32>, vector<16xi1>
      }
      %scan3A_18 = arith.constant 47 : i32
      %scan3A_19 = arith.constant 0 : i32
      %scan3A_20 = arith.constant 0 : i32
      %scan3A_21 = arith.constant 7 : i32
      %scan3A_22 = arith.addi %scan3A_20, %scan3A_21 : i32
      %scan3A_23 = arith.constant 1 : i32
      scf.for %scan3A_25 = %scan3A_20 to %scan3A_22 step %scan3A_23  : i32 {
        %mul3A = arith.constant 16 : i32
        %mul3A_26 = arith.muli %scan3A_25, %mul3A : i32
        %add3A = vector.broadcast %mul3A_26 : i32 to vector<16xi32>
        %add3A_27 = arith.addi %add3A, %iota3A : vector<16xi32>
        %lt3A = arith.constant 100 : i32
        %lt3A_28 = vector.broadcast %lt3A : i32 to vector<16xi32>
        %lt3A_29 = arith.cmpi slt, %add3A_27, %lt3A_28 : vector<16xi32>
        %mul3A_30 = arith.constant 101 : i32
        %mul3A_31 = vector.broadcast %mul3A_30 : i32 to vector<16xi32>
        %mul3A_32 = arith.muli %add3A_27, %mul3A_31 : vector<16xi32>
        tpu.vector_store_idx %arg6[%mul3A_32], %broadcast_in_dim3A_12 masked %lt3A_29 {add = true} : memref<10000xf32, #tpu.memory_space<vmem>>[vector<16xi32>], vector<16xf32>, vector<16xi1>
      }
      %scan3A_24 = arith.constant 7 : i32
      "tpu.region"() ({
        %run_scoped3A_25 = tpu.sem_alloc : memref<!tpu.dma_semaphore, #tpu.memory_space<semaphore_mem>>
        tpu.enqueue_dma source(%arg6 : memref<10000xf32, #tpu.memory_space<vmem>>) target(%arg3 : memref<10000xf32, #tpu.memory_space<hbm>>) target_semaphore(%run_scoped3A_25 : memref<!tpu.dma_semaphore, #tpu.memory_space<semaphore_mem>>)
        tpu.wait_dma2 semaphore(%run_scoped3A_25 : memref<!tpu.dma_semaphore, #tpu.memory_space<semaphore_mem>>) src(%arg6 : memref<10000xf32, #tpu.memory_space<vmem>>) dst(%arg3 : memref<10000xf32, #tpu.memory_space<hbm>>)
        tpu.yield
      }) : () -> ()
    } else {
    }
    return
  }
}

module attributes {stable_mosaic.version = 14 : i64} {
  func.func @_fused_body(%arg0: memref<12800x64xf32, #tpu.memory_space<vmem>>, %arg1: memref<100x64xf32, #tpu.memory_space<vmem>>, %arg2: memref<100x100xf32, #tpu.memory_space<vmem>>, %arg3: memref<64x64xf32, #tpu.memory_space<vmem>>, %arg4: memref<1x64xf32, #tpu.memory_space<vmem>>, %arg5: memref<1x64xf32, #tpu.memory_space<vmem>>, %arg6: memref<1x64xf32, #tpu.memory_space<vmem>>, %arg7: memref<1x64xf32, #tpu.memory_space<vmem>>, %arg8: memref<1x64xf32, #tpu.memory_space<vmem>>, %arg9: memref<1x64xf32, #tpu.memory_space<vmem>>, %arg10: memref<1x64xf32, #tpu.memory_space<vmem>>, %arg11: memref<1x64xf32, #tpu.memory_space<vmem>>, %arg12: memref<1x64xf32, #tpu.memory_space<vmem>>, %arg13: memref<1x64xf32, #tpu.memory_space<vmem>>, %arg14: memref<1x100xf32, #tpu.memory_space<vmem>>, %arg15: memref<128x100xf32, #tpu.memory_space<vmem>>, %arg16: memref<12800x64xf32, #tpu.memory_space<vmem>>) attributes {dimension_semantics = [], scalar_prefetch = 0 : i64, scratch_operands = 1 : i64, tpu.core_type = #tpu.core_type<tc>} {
    %get3A = arith.constant 0 : index
    %get3A_0 = arith.constant 0 : index
    %get3A_1 = vector.load %arg3[%get3A, %get3A_0] : memref<64x64xf32, #tpu.memory_space<vmem>>, vector<64x64xf32>
    %get3A_2 = arith.constant 0 : index
    %get3A_3 = arith.constant 0 : index
    %get3A_4 = vector.load %arg4[%get3A_2, %get3A_3] : memref<1x64xf32, #tpu.memory_space<vmem>>, vector<1x64xf32>
    %get3A_5 = arith.constant 0 : index
    %get3A_6 = arith.constant 0 : index
    %get3A_7 = vector.load %arg5[%get3A_5, %get3A_6] : memref<1x64xf32, #tpu.memory_space<vmem>>, vector<1x64xf32>
    %get3A_8 = arith.constant 0 : index
    %get3A_9 = arith.constant 0 : index
    %get3A_10 = vector.load %arg8[%get3A_8, %get3A_9] : memref<1x64xf32, #tpu.memory_space<vmem>>, vector<1x64xf32>
    %iota3A = tpu.iota {dimensions = array<i32: 0>} : vector<1600x100xi32>
    %iota3A_11 = tpu.iota {dimensions = array<i32: 1>} : vector<1600x100xi32>
    %rem3A = arith.constant 100 : i32
    %rem3A_12 = vector.broadcast %rem3A : i32 to vector<1600x100xi32>
    %rem3A_13 = arith.remsi %iota3A, %rem3A_12 : vector<1600x100xi32>
    %eq3A = arith.cmpi eq, %rem3A_13, %iota3A_11 : vector<1600x100xi32>
    %convert_element_type3A = arith.extui %eq3A : vector<1600x100xi1> to vector<1600x100xi32>
    %convert_element_type3A_14 = arith.sitofp %convert_element_type3A : vector<1600x100xi32> to vector<1600x100xf32>
    %slice3A = vector.extract_strided_slice %convert_element_type3A_14 {offsets = [0, 0], sizes = [400, 100], strides = [1, 1]} : vector<1600x100xf32> to vector<400x100xf32>
    %iota3A_15 = tpu.iota {dimensions = array<i32: 0>} : vector<4x400xi32>
    %iota3A_16 = tpu.iota {dimensions = array<i32: 1>} : vector<4x400xi32>
    %jit3A = arith.constant 100 : i32
    %div3A = vector.broadcast %jit3A : i32 to vector<4x400xi32>
    %div3A_17 = arith.divsi %iota3A_16, %div3A : vector<4x400xi32>
    %sign3A = arith.constant 0 : i32
    %sign3A_18 = vector.broadcast %sign3A : i32 to vector<4x400xi32>
    %sign3A_19 = arith.cmpi sgt, %iota3A_16, %sign3A_18 : vector<4x400xi32>
    %sign3A_20 = arith.extui %sign3A_19 : vector<4x400xi1> to vector<4x400xi32>
    %sign3A_21 = arith.constant 0 : i32
    %sign3A_22 = vector.broadcast %sign3A_21 : i32 to vector<4x400xi32>
    %sign3A_23 = arith.cmpi slt, %iota3A_16, %sign3A_22 : vector<4x400xi32>
    %sign3A_24 = arith.extui %sign3A_23 : vector<4x400xi1> to vector<4x400xi32>
    %sign3A_25 = arith.subi %sign3A_20, %sign3A_24 : vector<4x400xi32>
    %sign3A_26 = arith.constant 0 : i32
    %sign3A_27 = arith.cmpi sgt, %jit3A, %sign3A_26 : i32
    %sign3A_28 = arith.extui %sign3A_27 : i1 to i32
    %sign3A_29 = arith.constant 0 : i32
    %sign3A_30 = arith.cmpi slt, %jit3A, %sign3A_29 : i32
    %sign3A_31 = arith.extui %sign3A_30 : i1 to i32
    %sign3A_32 = arith.subi %sign3A_28, %sign3A_31 : i32
    %ne3A = vector.broadcast %sign3A_32 : i32 to vector<4x400xi32>
    %ne3A_33 = arith.cmpi ne, %sign3A_25, %ne3A : vector<4x400xi32>
    %rem3A_34 = vector.broadcast %jit3A : i32 to vector<4x400xi32>
    %rem3A_35 = arith.remsi %iota3A_16, %rem3A_34 : vector<4x400xi32>
    %ne3A_36 = arith.constant 0 : i32
    %ne3A_37 = vector.broadcast %ne3A_36 : i32 to vector<4x400xi32>
    %ne3A_38 = arith.cmpi ne, %rem3A_35, %ne3A_37 : vector<4x400xi32>
    %and3A = arith.andi %ne3A_33, %ne3A_38 : vector<4x400xi1>
    %sub3A = arith.constant 1 : i32
    %sub3A_39 = vector.broadcast %sub3A : i32 to vector<4x400xi32>
    %sub3A_40 = arith.subi %div3A_17, %sub3A_39 : vector<4x400xi32>
    %select_n3A = arith.select %and3A, %sub3A_40, %div3A_17 : vector<4x400xi1>, vector<4x400xi32>
    %eq3A_41 = arith.cmpi eq, %select_n3A, %iota3A_15 : vector<4x400xi32>
    %convert_element_type3A_42 = arith.extui %eq3A_41 : vector<4x400xi1> to vector<4x400xi32>
    %convert_element_type3A_43 = arith.sitofp %convert_element_type3A_42 : vector<4x400xi32> to vector<4x400xf32>
    %iota3A_44 = tpu.iota {dimensions = array<i32: 0>} : vector<16x1600xi32>
    %iota3A_45 = tpu.iota {dimensions = array<i32: 1>} : vector<16x1600xi32>
    %jit3A_46 = arith.constant 100 : i32
    %div3A_47 = vector.broadcast %jit3A_46 : i32 to vector<16x1600xi32>
    %div3A_48 = arith.divsi %iota3A_45, %div3A_47 : vector<16x1600xi32>
    %sign3A_49 = arith.constant 0 : i32
    %sign3A_50 = vector.broadcast %sign3A_49 : i32 to vector<16x1600xi32>
    %sign3A_51 = arith.cmpi sgt, %iota3A_45, %sign3A_50 : vector<16x1600xi32>
    %sign3A_52 = arith.extui %sign3A_51 : vector<16x1600xi1> to vector<16x1600xi32>
    %sign3A_53 = arith.constant 0 : i32
    %sign3A_54 = vector.broadcast %sign3A_53 : i32 to vector<16x1600xi32>
    %sign3A_55 = arith.cmpi slt, %iota3A_45, %sign3A_54 : vector<16x1600xi32>
    %sign3A_56 = arith.extui %sign3A_55 : vector<16x1600xi1> to vector<16x1600xi32>
    %sign3A_57 = arith.subi %sign3A_52, %sign3A_56 : vector<16x1600xi32>
    %sign3A_58 = arith.constant 0 : i32
    %sign3A_59 = arith.cmpi sgt, %jit3A_46, %sign3A_58 : i32
    %sign3A_60 = arith.extui %sign3A_59 : i1 to i32
    %sign3A_61 = arith.constant 0 : i32
    %sign3A_62 = arith.cmpi slt, %jit3A_46, %sign3A_61 : i32
    %sign3A_63 = arith.extui %sign3A_62 : i1 to i32
    %sign3A_64 = arith.subi %sign3A_60, %sign3A_63 : i32
    %ne3A_65 = vector.broadcast %sign3A_64 : i32 to vector<16x1600xi32>
    %ne3A_66 = arith.cmpi ne, %sign3A_57, %ne3A_65 : vector<16x1600xi32>
    %rem3A_67 = vector.broadcast %jit3A_46 : i32 to vector<16x1600xi32>
    %rem3A_68 = arith.remsi %iota3A_45, %rem3A_67 : vector<16x1600xi32>
    %ne3A_69 = arith.constant 0 : i32
    %ne3A_70 = vector.broadcast %ne3A_69 : i32 to vector<16x1600xi32>
    %ne3A_71 = arith.cmpi ne, %rem3A_68, %ne3A_70 : vector<16x1600xi32>
    %and3A_72 = arith.andi %ne3A_66, %ne3A_71 : vector<16x1600xi1>
    %sub3A_73 = arith.constant 1 : i32
    %sub3A_74 = vector.broadcast %sub3A_73 : i32 to vector<16x1600xi32>
    %sub3A_75 = arith.subi %div3A_48, %sub3A_74 : vector<16x1600xi32>
    %select_n3A_76 = arith.select %and3A_72, %sub3A_75, %div3A_48 : vector<16x1600xi1>, vector<16x1600xi32>
    %eq3A_77 = arith.cmpi eq, %select_n3A_76, %iota3A_44 : vector<16x1600xi32>
    %convert_element_type3A_78 = arith.extui %eq3A_77 : vector<16x1600xi1> to vector<16x1600xi32>
    %convert_element_type3A_79 = arith.sitofp %convert_element_type3A_78 : vector<16x1600xi32> to vector<16x1600xf32>
    %get3A_80 = arith.constant 0 : index
    %get3A_81 = arith.constant 0 : index
    %get3A_82 = vector.load %arg1[%get3A_80, %get3A_81] : memref<100x64xf32, #tpu.memory_space<vmem>>, vector<100x64xf32>
    %dot_general3A = arith.constant dense<0.000000e+00> : vector<1600x64xf32>
    %dot_general3A_83 = tpu.matmul %convert_element_type3A_14, %get3A_82, %dot_general3A {dimension_numbers = #tpu.dot_dimension_numbers<[1], [0], [0], [1], [0, 0, 1, 1], [], []>, precision = #tpu.contract_precision<fp32>, transpose_lhs_hint = false} : vector<1600x100xf32>, vector<100x64xf32>, vector<1600x64xf32> -> vector<1600x64xf32>
    %slice3A_84 = vector.extract_strided_slice %dot_general3A_83 {offsets = [0, 0], sizes = [400, 64], strides = [1, 1]} : vector<1600x64xf32> to vector<400x64xf32>
    %get3A_85 = arith.constant 0 : index
    %get3A_86 = arith.constant 0 : index
    %get3A_87 = vector.load %arg2[%get3A_85, %get3A_86] : memref<100x100xf32, #tpu.memory_space<vmem>>, vector<100x100xf32>
    %dot_general3A_88 = arith.constant dense<0.000000e+00> : vector<400x100xf32>
    %dot_general3A_89 = tpu.matmul %slice3A, %get3A_87, %dot_general3A_88 {dimension_numbers = #tpu.dot_dimension_numbers<[1], [0], [0], [1], [0, 0, 1, 1], [], []>, precision = #tpu.contract_precision<fp32>, transpose_lhs_hint = false} : vector<400x100xf32>, vector<100x100xf32>, vector<400x100xf32> -> vector<400x100xf32>
    %get3A_90 = arith.constant 0 : index
    %get3A_91 = arith.constant 0 : index
    %get3A_92 = vector.load %arg6[%get3A_90, %get3A_91] : memref<1x64xf32, #tpu.memory_space<vmem>>, vector<1x64xf32>
    %dot_general3A_93 = arith.constant dense<0.000000e+00> : vector<400x1xf32>
    %dot_general3A_94 = tpu.matmul %slice3A_84, %get3A_92, %dot_general3A_93 {dimension_numbers = #tpu.dot_dimension_numbers<[1], [1], [0], [0], [0, 0, 1, 0], [], []>, precision = #tpu.contract_precision<fp32>, transpose_lhs_hint = false} : vector<400x64xf32>, vector<1x64xf32>, vector<400x1xf32> -> vector<400x1xf32>
    %get3A_95 = arith.constant 0 : index
    %get3A_96 = arith.constant 0 : index
    %get3A_97 = vector.load %arg7[%get3A_95, %get3A_96] : memref<1x64xf32, #tpu.memory_space<vmem>>, vector<1x64xf32>
    %dot_general3A_98 = arith.constant dense<0.000000e+00> : vector<400x1xf32>
    %dot_general3A_99 = tpu.matmul %slice3A_84, %get3A_97, %dot_general3A_98 {dimension_numbers = #tpu.dot_dimension_numbers<[1], [1], [0], [0], [0, 0, 1, 0], [], []>, precision = #tpu.contract_precision<fp32>, transpose_lhs_hint = false} : vector<400x64xf32>, vector<1x64xf32>, vector<400x1xf32> -> vector<400x1xf32>
    %broadcast_in_dim3A = arith.constant 0.000000e+00 : f32
    %broadcast_in_dim3A_100 = vector.broadcast %broadcast_in_dim3A : f32 to vector<1x64xf32>
    %scan3A = arith.constant 0 : i32
    %scan3A_101 = arith.constant 4 : i32
    %scan3A_102 = arith.addi %scan3A, %scan3A_101 : i32
    %scan3A_103 = arith.constant 1 : i32
    %scan3A_104:2 = scf.for %scan3A_158 = %scan3A to %scan3A_102 step %scan3A_103 iter_args(%scan3A_159 = %broadcast_in_dim3A_100, %scan3A_160 = %broadcast_in_dim3A_100) -> (vector<1x64xf32>, vector<1x64xf32>)  : i32 {
      %mul3A_161 = arith.constant 8 : i32
      %mul3A_162 = arith.muli %mul3A_161, %scan3A_158 : i32
      %add3A_163 = arith.constant 0 : i32
      %add3A_164 = arith.addi %mul3A_162, %add3A_163 : i32
      %mul3A_165 = arith.constant 400 : i32
      %mul3A_166 = arith.muli %add3A_164, %mul3A_165 : i32
      %get3A_167 = arith.index_cast %mul3A_166 : i32 to index
      %get3A_168 = arith.constant 0 : index
      %get3A_169 = vector.load %arg0[%get3A_167, %get3A_168] : memref<12800x64xf32, #tpu.memory_space<vmem>>, vector<400x64xf32>
      %dot_general3A_170 = arith.constant dense<0.000000e+00> : vector<400x64xf32>
      %dot_general3A_171 = tpu.matmul %get3A_169, %get3A_1, %dot_general3A_170 {dimension_numbers = #tpu.dot_dimension_numbers<[1], [1], [0], [0], [0, 0, 1, 0], [], []>, precision = #tpu.contract_precision<fp32>, transpose_lhs_hint = false} : vector<400x64xf32>, vector<64x64xf32>, vector<400x64xf32> -> vector<400x64xf32>
      %dot_general3A_172 = arith.constant dense<0.000000e+00> : vector<400x1xf32>
      %dot_general3A_173 = tpu.matmul %dot_general3A_171, %get3A_4, %dot_general3A_172 {dimension_numbers = #tpu.dot_dimension_numbers<[1], [1], [0], [0], [0, 0, 1, 0], [], []>, precision = #tpu.contract_precision<fp32>, transpose_lhs_hint = false} : vector<400x64xf32>, vector<1x64xf32>, vector<400x1xf32> -> vector<400x1xf32>
      %add3A_174 = arith.addf %dot_general3A_173, %dot_general3A_94 : vector<400x1xf32>
      %dot_general3A_175 = arith.constant dense<0.000000e+00> : vector<400x1xf32>
      %dot_general3A_176 = tpu.matmul %dot_general3A_171, %get3A_7, %dot_general3A_175 {dimension_numbers = #tpu.dot_dimension_numbers<[1], [1], [0], [0], [0, 0, 1, 0], [], []>, precision = #tpu.contract_precision<fp32>, transpose_lhs_hint = false} : vector<400x64xf32>, vector<1x64xf32>, vector<400x1xf32> -> vector<400x1xf32>
      %add3A_177 = arith.addf %dot_general3A_176, %dot_general3A_99 : vector<400x1xf32>
      %mul3A_178 = vector.broadcast %add3A_177 : vector<400x1xf32> to vector<400x100xf32>
      %mul3A_179 = arith.mulf %mul3A_178, %slice3A : vector<400x100xf32>
      %dot_general3A_180 = arith.constant dense<0.000000e+00> : vector<4x100xf32>
      %dot_general3A_181 = tpu.matmul %convert_element_type3A_43, %mul3A_179, %dot_general3A_180 {dimension_numbers = #tpu.dot_dimension_numbers<[1], [0], [0], [1], [0, 0, 1, 1], [], []>, precision = #tpu.contract_precision<fp32>, transpose_lhs_hint = false} : vector<4x400xf32>, vector<400x100xf32>, vector<4x100xf32> -> vector<4x100xf32>
      %dot_general3A_182 = arith.constant dense<0.000000e+00> : vector<400x100xf32>
      %dot_general3A_183 = tpu.matmul %convert_element_type3A_43, %dot_general3A_181, %dot_general3A_182 {dimension_numbers = #tpu.dot_dimension_numbers<[0], [0], [1], [1], [0, 1, 1, 1], [], []>, precision = #tpu.contract_precision<fp32>, transpose_lhs_hint = false} : vector<4x400xf32>, vector<4x100xf32>, vector<400x100xf32> -> vector<400x100xf32>
      %add3A_184 = vector.broadcast %add3A_174 : vector<400x1xf32> to vector<400x100xf32>
      %add3A_185 = arith.addf %add3A_184, %dot_general3A_183 : vector<400x100xf32>
      %ge3A = arith.constant 0.000000e+00 : f32
      %ge3A_186 = vector.broadcast %ge3A : f32 to vector<400x100xf32>
      %ge3A_187 = arith.cmpf oge, %add3A_185, %ge3A_186 : vector<400x100xf32>
      %mul3A_188 = arith.constant 2.000000e-01 : f32
      %mul3A_189 = vector.broadcast %mul3A_188 : f32 to vector<400x100xf32>
      %mul3A_190 = arith.mulf %mul3A_189, %add3A_185 : vector<400x100xf32>
      %select_n3A_191 = arith.select %ge3A_187, %add3A_185, %mul3A_190 : vector<400x100xi1>, vector<400x100xf32>
      %gt3A = arith.constant 0.000000e+00 : f32
      %gt3A_192 = vector.broadcast %gt3A : f32 to vector<400x100xf32>
      %gt3A_193 = arith.cmpf ogt, %dot_general3A_89, %gt3A_192 : vector<400x100xf32>
      %jit3A_194 = arith.constant -1.000000e+30 : f32
      %broadcast_in_dim3A_195 = vector.broadcast %jit3A_194 : f32 to vector<400x100xf32>
      %select_n3A_196 = arith.select %gt3A_193, %select_n3A_191, %broadcast_in_dim3A_195 : vector<400x100xi1>, vector<400x100xf32>
      %reduce_max3A = arith.constant dense<0xFF800000> : vector<400xf32>
      %reduce_max3A_197 = vector.multi_reduction <maximumf>, %select_n3A_196, %reduce_max3A [1] : vector<400x100xf32> to vector<400xf32>
      %broadcast_in_dim3A_198 = vector.shape_cast %reduce_max3A_197 : vector<400xf32> to vector<400x1xf32>
      %sub3A_199 = vector.broadcast %broadcast_in_dim3A_198 : vector<400x1xf32> to vector<400x100xf32>
      %sub3A_200 = arith.subf %select_n3A_191, %sub3A_199 : vector<400x100xf32>
      %min3A = arith.constant 0.000000e+00 : f32
      %min3A_201 = vector.broadcast %min3A : f32 to vector<400x100xf32>
      %min3A_202 = arith.minimumf %sub3A_200, %min3A_201 : vector<400x100xf32>
      %exp3A = math.exp %min3A_202 : vector<400x100xf32>
      %mul3A_203 = arith.mulf %dot_general3A_89, %exp3A : vector<400x100xf32>
      %reduce_sum3A = arith.constant dense<0.000000e+00> : vector<400xf32>
      %reduce_sum3A_204 = vector.multi_reduction <add>, %mul3A_203, %reduce_sum3A [1] : vector<400x100xf32> to vector<400xf32>
      %broadcast_in_dim3A_205 = vector.shape_cast %reduce_sum3A_204 : vector<400xf32> to vector<400x1xf32>
      %add3A_206 = arith.constant 1.000000e-16 : f32
      %add3A_207 = vector.broadcast %add3A_206 : f32 to vector<400x1xf32>
      %add3A_208 = arith.addf %broadcast_in_dim3A_205, %add3A_207 : vector<400x1xf32>
      %div3A_209 = vector.broadcast %add3A_208 : vector<400x1xf32> to vector<400x100xf32>
      %div3A_210 = arith.divf %mul3A_203, %div3A_209 : vector<400x100xf32>
      %mul3A_211 = arith.constant 8 : i32
      %mul3A_212 = arith.muli %mul3A_211, %scan3A_158 : i32
      %add3A_213 = arith.constant 1 : i32
      %add3A_214 = arith.addi %mul3A_212, %add3A_213 : i32
      %mul3A_215 = arith.constant 400 : i32
      %mul3A_216 = arith.muli %add3A_214, %mul3A_215 : i32
      %get3A_217 = arith.index_cast %mul3A_216 : i32 to index
      %get3A_218 = arith.constant 0 : index
      %get3A_219 = vector.load %arg0[%get3A_217, %get3A_218] : memref<12800x64xf32, #tpu.memory_space<vmem>>, vector<400x64xf32>
      %dot_general3A_220 = arith.constant dense<0.000000e+00> : vector<400x64xf32>
      %dot_general3A_221 = tpu.matmul %get3A_219, %get3A_1, %dot_general3A_220 {dimension_numbers = #tpu.dot_dimension_numbers<[1], [1], [0], [0], [0, 0, 1, 0], [], []>, precision = #tpu.contract_precision<fp32>, transpose_lhs_hint = false} : vector<400x64xf32>, vector<64x64xf32>, vector<400x64xf32> -> vector<400x64xf32>
      %dot_general3A_222 = arith.constant dense<0.000000e+00> : vector<400x1xf32>
      %dot_general3A_223 = tpu.matmul %dot_general3A_221, %get3A_4, %dot_general3A_222 {dimension_numbers = #tpu.dot_dimension_numbers<[1], [1], [0], [0], [0, 0, 1, 0], [], []>, precision = #tpu.contract_precision<fp32>, transpose_lhs_hint = false} : vector<400x64xf32>, vector<1x64xf32>, vector<400x1xf32> -> vector<400x1xf32>
      %add3A_224 = arith.addf %dot_general3A_223, %dot_general3A_94 : vector<400x1xf32>
      %dot_general3A_225 = arith.constant dense<0.000000e+00> : vector<400x1xf32>
      %dot_general3A_226 = tpu.matmul %dot_general3A_221, %get3A_7, %dot_general3A_225 {dimension_numbers = #tpu.dot_dimension_numbers<[1], [1], [0], [0], [0, 0, 1, 0], [], []>, precision = #tpu.contract_precision<fp32>, transpose_lhs_hint = false} : vector<400x64xf32>, vector<1x64xf32>, vector<400x1xf32> -> vector<400x1xf32>
      %add3A_227 = arith.addf %dot_general3A_226, %dot_general3A_99 : vector<400x1xf32>
      %mul3A_228 = vector.broadcast %add3A_227 : vector<400x1xf32> to vector<400x100xf32>
      %mul3A_229 = arith.mulf %mul3A_228, %slice3A : vector<400x100xf32>
      %dot_general3A_230 = arith.constant dense<0.000000e+00> : vector<4x100xf32>
      %dot_general3A_231 = tpu.matmul %convert_element_type3A_43, %mul3A_229, %dot_general3A_230 {dimension_numbers = #tpu.dot_dimension_numbers<[1], [0], [0], [1], [0, 0, 1, 1], [], []>, precision = #tpu.contract_precision<fp32>, transpose_lhs_hint = false} : vector<4x400xf32>, vector<400x100xf32>, vector<4x100xf32> -> vector<4x100xf32>
      %dot_general3A_232 = arith.constant dense<0.000000e+00> : vector<400x100xf32>
      %dot_general3A_233 = tpu.matmul %convert_element_type3A_43, %dot_general3A_231, %dot_general3A_232 {dimension_numbers = #tpu.dot_dimension_numbers<[0], [0], [1], [1], [0, 1, 1, 1], [], []>, precision = #tpu.contract_precision<fp32>, transpose_lhs_hint = false} : vector<4x400xf32>, vector<4x100xf32>, vector<400x100xf32> -> vector<400x100xf32>
      %add3A_234 = vector.broadcast %add3A_224 : vector<400x1xf32> to vector<400x100xf32>
      %add3A_235 = arith.addf %add3A_234, %dot_general3A_233 : vector<400x100xf32>
      %ge3A_236 = arith.constant 0.000000e+00 : f32
      %ge3A_237 = vector.broadcast %ge3A_236 : f32 to vector<400x100xf32>
      %ge3A_238 = arith.cmpf oge, %add3A_235, %ge3A_237 : vector<400x100xf32>
      %mul3A_239 = arith.constant 2.000000e-01 : f32
      %mul3A_240 = vector.broadcast %mul3A_239 : f32 to vector<400x100xf32>
      %mul3A_241 = arith.mulf %mul3A_240, %add3A_235 : vector<400x100xf32>
      %select_n3A_242 = arith.select %ge3A_238, %add3A_235, %mul3A_241 : vector<400x100xi1>, vector<400x100xf32>
      %gt3A_243 = arith.constant 0.000000e+00 : f32
      %gt3A_244 = vector.broadcast %gt3A_243 : f32 to vector<400x100xf32>
      %gt3A_245 = arith.cmpf ogt, %dot_general3A_89, %gt3A_244 : vector<400x100xf32>
      %jit3A_246 = arith.constant -1.000000e+30 : f32
      %broadcast_in_dim3A_247 = vector.broadcast %jit3A_246 : f32 to vector<400x100xf32>
      %select_n3A_248 = arith.select %gt3A_245, %select_n3A_242, %broadcast_in_dim3A_247 : vector<400x100xi1>, vector<400x100xf32>
      %reduce_max3A_249 = arith.constant dense<0xFF800000> : vector<400xf32>
      %reduce_max3A_250 = vector.multi_reduction <maximumf>, %select_n3A_248, %reduce_max3A_249 [1] : vector<400x100xf32> to vector<400xf32>
      %broadcast_in_dim3A_251 = vector.shape_cast %reduce_max3A_250 : vector<400xf32> to vector<400x1xf32>
      %sub3A_252 = vector.broadcast %broadcast_in_dim3A_251 : vector<400x1xf32> to vector<400x100xf32>
      %sub3A_253 = arith.subf %select_n3A_242, %sub3A_252 : vector<400x100xf32>
      %min3A_254 = arith.constant 0.000000e+00 : f32
      %min3A_255 = vector.broadcast %min3A_254 : f32 to vector<400x100xf32>
      %min3A_256 = arith.minimumf %sub3A_253, %min3A_255 : vector<400x100xf32>
      %exp3A_257 = math.exp %min3A_256 : vector<400x100xf32>
      %mul3A_258 = arith.mulf %dot_general3A_89, %exp3A_257 : vector<400x100xf32>
      %reduce_sum3A_259 = arith.constant dense<0.000000e+00> : vector<400xf32>
      %reduce_sum3A_260 = vector.multi_reduction <add>, %mul3A_258, %reduce_sum3A_259 [1] : vector<400x100xf32> to vector<400xf32>
      %broadcast_in_dim3A_261 = vector.shape_cast %reduce_sum3A_260 : vector<400xf32> to vector<400x1xf32>
      %add3A_262 = arith.constant 1.000000e-16 : f32
      %add3A_263 = vector.broadcast %add3A_262 : f32 to vector<400x1xf32>
      %add3A_264 = arith.addf %broadcast_in_dim3A_261, %add3A_263 : vector<400x1xf32>
      %div3A_265 = vector.broadcast %add3A_264 : vector<400x1xf32> to vector<400x100xf32>
      %div3A_266 = arith.divf %mul3A_258, %div3A_265 : vector<400x100xf32>
      %mul3A_267 = arith.constant 8 : i32
      %mul3A_268 = arith.muli %mul3A_267, %scan3A_158 : i32
      %add3A_269 = arith.constant 2 : i32
      %add3A_270 = arith.addi %mul3A_268, %add3A_269 : i32
      %mul3A_271 = arith.constant 400 : i32
      %mul3A_272 = arith.muli %add3A_270, %mul3A_271 : i32
      %get3A_273 = arith.index_cast %mul3A_272 : i32 to index
      %get3A_274 = arith.constant 0 : index
      %get3A_275 = vector.load %arg0[%get3A_273, %get3A_274] : memref<12800x64xf32, #tpu.memory_space<vmem>>, vector<400x64xf32>
      %dot_general3A_276 = arith.constant dense<0.000000e+00> : vector<400x64xf32>
      %dot_general3A_277 = tpu.matmul %get3A_275, %get3A_1, %dot_general3A_276 {dimension_numbers = #tpu.dot_dimension_numbers<[1], [1], [0], [0], [0, 0, 1, 0], [], []>, precision = #tpu.contract_precision<fp32>, transpose_lhs_hint = false} : vector<400x64xf32>, vector<64x64xf32>, vector<400x64xf32> -> vector<400x64xf32>
      %dot_general3A_278 = arith.constant dense<0.000000e+00> : vector<400x1xf32>
      %dot_general3A_279 = tpu.matmul %dot_general3A_277, %get3A_4, %dot_general3A_278 {dimension_numbers = #tpu.dot_dimension_numbers<[1], [1], [0], [0], [0, 0, 1, 0], [], []>, precision = #tpu.contract_precision<fp32>, transpose_lhs_hint = false} : vector<400x64xf32>, vector<1x64xf32>, vector<400x1xf32> -> vector<400x1xf32>
      %add3A_280 = arith.addf %dot_general3A_279, %dot_general3A_94 : vector<400x1xf32>
      %dot_general3A_281 = arith.constant dense<0.000000e+00> : vector<400x1xf32>
      %dot_general3A_282 = tpu.matmul %dot_general3A_277, %get3A_7, %dot_general3A_281 {dimension_numbers = #tpu.dot_dimension_numbers<[1], [1], [0], [0], [0, 0, 1, 0], [], []>, precision = #tpu.contract_precision<fp32>, transpose_lhs_hint = false} : vector<400x64xf32>, vector<1x64xf32>, vector<400x1xf32> -> vector<400x1xf32>
      %add3A_283 = arith.addf %dot_general3A_282, %dot_general3A_99 : vector<400x1xf32>
      %mul3A_284 = vector.broadcast %add3A_283 : vector<400x1xf32> to vector<400x100xf32>
      %mul3A_285 = arith.mulf %mul3A_284, %slice3A : vector<400x100xf32>
      %dot_general3A_286 = arith.constant dense<0.000000e+00> : vector<4x100xf32>
      %dot_general3A_287 = tpu.matmul %convert_element_type3A_43, %mul3A_285, %dot_general3A_286 {dimension_numbers = #tpu.dot_dimension_numbers<[1], [0], [0], [1], [0, 0, 1, 1], [], []>, precision = #tpu.contract_precision<fp32>, transpose_lhs_hint = false} : vector<4x400xf32>, vector<400x100xf32>, vector<4x100xf32> -> vector<4x100xf32>
      %dot_general3A_288 = arith.constant dense<0.000000e+00> : vector<400x100xf32>
      %dot_general3A_289 = tpu.matmul %convert_element_type3A_43, %dot_general3A_287, %dot_general3A_288 {dimension_numbers = #tpu.dot_dimension_numbers<[0], [0], [1], [1], [0, 1, 1, 1], [], []>, precision = #tpu.contract_precision<fp32>, transpose_lhs_hint = false} : vector<4x400xf32>, vector<4x100xf32>, vector<400x100xf32> -> vector<400x100xf32>
      %add3A_290 = vector.broadcast %add3A_280 : vector<400x1xf32> to vector<400x100xf32>
      %add3A_291 = arith.addf %add3A_290, %dot_general3A_289 : vector<400x100xf32>
      %ge3A_292 = arith.constant 0.000000e+00 : f32
      %ge3A_293 = vector.broadcast %ge3A_292 : f32 to vector<400x100xf32>
      %ge3A_294 = arith.cmpf oge, %add3A_291, %ge3A_293 : vector<400x100xf32>
      %mul3A_295 = arith.constant 2.000000e-01 : f32
      %mul3A_296 = vector.broadcast %mul3A_295 : f32 to vector<400x100xf32>
      %mul3A_297 = arith.mulf %mul3A_296, %add3A_291 : vector<400x100xf32>
      %select_n3A_298 = arith.select %ge3A_294, %add3A_291, %mul3A_297 : vector<400x100xi1>, vector<400x100xf32>
      %gt3A_299 = arith.constant 0.000000e+00 : f32
      %gt3A_300 = vector.broadcast %gt3A_299 : f32 to vector<400x100xf32>
      %gt3A_301 = arith.cmpf ogt, %dot_general3A_89, %gt3A_300 : vector<400x100xf32>
      %jit3A_302 = arith.constant -1.000000e+30 : f32
      %broadcast_in_dim3A_303 = vector.broadcast %jit3A_302 : f32 to vector<400x100xf32>
      %select_n3A_304 = arith.select %gt3A_301, %select_n3A_298, %broadcast_in_dim3A_303 : vector<400x100xi1>, vector<400x100xf32>
      %reduce_max3A_305 = arith.constant dense<0xFF800000> : vector<400xf32>
      %reduce_max3A_306 = vector.multi_reduction <maximumf>, %select_n3A_304, %reduce_max3A_305 [1] : vector<400x100xf32> to vector<400xf32>
      %broadcast_in_dim3A_307 = vector.shape_cast %reduce_max3A_306 : vector<400xf32> to vector<400x1xf32>
      %sub3A_308 = vector.broadcast %broadcast_in_dim3A_307 : vector<400x1xf32> to vector<400x100xf32>
      %sub3A_309 = arith.subf %select_n3A_298, %sub3A_308 : vector<400x100xf32>
      %min3A_310 = arith.constant 0.000000e+00 : f32
      %min3A_311 = vector.broadcast %min3A_310 : f32 to vector<400x100xf32>
      %min3A_312 = arith.minimumf %sub3A_309, %min3A_311 : vector<400x100xf32>
      %exp3A_313 = math.exp %min3A_312 : vector<400x100xf32>
      %mul3A_314 = arith.mulf %dot_general3A_89, %exp3A_313 : vector<400x100xf32>
      %reduce_sum3A_315 = arith.constant dense<0.000000e+00> : vector<400xf32>
      %reduce_sum3A_316 = vector.multi_reduction <add>, %mul3A_314, %reduce_sum3A_315 [1] : vector<400x100xf32> to vector<400xf32>
      %broadcast_in_dim3A_317 = vector.shape_cast %reduce_sum3A_316 : vector<400xf32> to vector<400x1xf32>
      %add3A_318 = arith.constant 1.000000e-16 : f32
      %add3A_319 = vector.broadcast %add3A_318 : f32 to vector<400x1xf32>
      %add3A_320 = arith.addf %broadcast_in_dim3A_317, %add3A_319 : vector<400x1xf32>
      %div3A_321 = vector.broadcast %add3A_320 : vector<400x1xf32> to vector<400x100xf32>
      %div3A_322 = arith.divf %mul3A_314, %div3A_321 : vector<400x100xf32>
      %mul3A_323 = arith.constant 8 : i32
      %mul3A_324 = arith.muli %mul3A_323, %scan3A_158 : i32
      %add3A_325 = arith.constant 3 : i32
      %add3A_326 = arith.addi %mul3A_324, %add3A_325 : i32
      %mul3A_327 = arith.constant 400 : i32
      %mul3A_328 = arith.muli %add3A_326, %mul3A_327 : i32
      %get3A_329 = arith.index_cast %mul3A_328 : i32 to index
      %get3A_330 = arith.constant 0 : index
      %get3A_331 = vector.load %arg0[%get3A_329, %get3A_330] : memref<12800x64xf32, #tpu.memory_space<vmem>>, vector<400x64xf32>
      %dot_general3A_332 = arith.constant dense<0.000000e+00> : vector<400x64xf32>
      %dot_general3A_333 = tpu.matmul %get3A_331, %get3A_1, %dot_general3A_332 {dimension_numbers = #tpu.dot_dimension_numbers<[1], [1], [0], [0], [0, 0, 1, 0], [], []>, precision = #tpu.contract_precision<fp32>, transpose_lhs_hint = false} : vector<400x64xf32>, vector<64x64xf32>, vector<400x64xf32> -> vector<400x64xf32>
      %dot_general3A_334 = arith.constant dense<0.000000e+00> : vector<400x1xf32>
      %dot_general3A_335 = tpu.matmul %dot_general3A_333, %get3A_4, %dot_general3A_334 {dimension_numbers = #tpu.dot_dimension_numbers<[1], [1], [0], [0], [0, 0, 1, 0], [], []>, precision = #tpu.contract_precision<fp32>, transpose_lhs_hint = false} : vector<400x64xf32>, vector<1x64xf32>, vector<400x1xf32> -> vector<400x1xf32>
      %add3A_336 = arith.addf %dot_general3A_335, %dot_general3A_94 : vector<400x1xf32>
      %dot_general3A_337 = arith.constant dense<0.000000e+00> : vector<400x1xf32>
      %dot_general3A_338 = tpu.matmul %dot_general3A_333, %get3A_7, %dot_general3A_337 {dimension_numbers = #tpu.dot_dimension_numbers<[1], [1], [0], [0], [0, 0, 1, 0], [], []>, precision = #tpu.contract_precision<fp32>, transpose_lhs_hint = false} : vector<400x64xf32>, vector<1x64xf32>, vector<400x1xf32> -> vector<400x1xf32>
      %add3A_339 = arith.addf %dot_general3A_338, %dot_general3A_99 : vector<400x1xf32>
      %mul3A_340 = vector.broadcast %add3A_339 : vector<400x1xf32> to vector<400x100xf32>
      %mul3A_341 = arith.mulf %mul3A_340, %slice3A : vector<400x100xf32>
      %dot_general3A_342 = arith.constant dense<0.000000e+00> : vector<4x100xf32>
      %dot_general3A_343 = tpu.matmul %convert_element_type3A_43, %mul3A_341, %dot_general3A_342 {dimension_numbers = #tpu.dot_dimension_numbers<[1], [0], [0], [1], [0, 0, 1, 1], [], []>, precision = #tpu.contract_precision<fp32>, transpose_lhs_hint = false} : vector<4x400xf32>, vector<400x100xf32>, vector<4x100xf32> -> vector<4x100xf32>
      %dot_general3A_344 = arith.constant dense<0.000000e+00> : vector<400x100xf32>
      %dot_general3A_345 = tpu.matmul %convert_element_type3A_43, %dot_general3A_343, %dot_general3A_344 {dimension_numbers = #tpu.dot_dimension_numbers<[0], [0], [1], [1], [0, 1, 1, 1], [], []>, precision = #tpu.contract_precision<fp32>, transpose_lhs_hint = false} : vector<4x400xf32>, vector<4x100xf32>, vector<400x100xf32> -> vector<400x100xf32>
      %add3A_346 = vector.broadcast %add3A_336 : vector<400x1xf32> to vector<400x100xf32>
      %add3A_347 = arith.addf %add3A_346, %dot_general3A_345 : vector<400x100xf32>
      %ge3A_348 = arith.constant 0.000000e+00 : f32
      %ge3A_349 = vector.broadcast %ge3A_348 : f32 to vector<400x100xf32>
      %ge3A_350 = arith.cmpf oge, %add3A_347, %ge3A_349 : vector<400x100xf32>
      %mul3A_351 = arith.constant 2.000000e-01 : f32
      %mul3A_352 = vector.broadcast %mul3A_351 : f32 to vector<400x100xf32>
      %mul3A_353 = arith.mulf %mul3A_352, %add3A_347 : vector<400x100xf32>
      %select_n3A_354 = arith.select %ge3A_350, %add3A_347, %mul3A_353 : vector<400x100xi1>, vector<400x100xf32>
      %gt3A_355 = arith.constant 0.000000e+00 : f32
      %gt3A_356 = vector.broadcast %gt3A_355 : f32 to vector<400x100xf32>
      %gt3A_357 = arith.cmpf ogt, %dot_general3A_89, %gt3A_356 : vector<400x100xf32>
      %jit3A_358 = arith.constant -1.000000e+30 : f32
      %broadcast_in_dim3A_359 = vector.broadcast %jit3A_358 : f32 to vector<400x100xf32>
      %select_n3A_360 = arith.select %gt3A_357, %select_n3A_354, %broadcast_in_dim3A_359 : vector<400x100xi1>, vector<400x100xf32>
      %reduce_max3A_361 = arith.constant dense<0xFF800000> : vector<400xf32>
      %reduce_max3A_362 = vector.multi_reduction <maximumf>, %select_n3A_360, %reduce_max3A_361 [1] : vector<400x100xf32> to vector<400xf32>
      %broadcast_in_dim3A_363 = vector.shape_cast %reduce_max3A_362 : vector<400xf32> to vector<400x1xf32>
      %sub3A_364 = vector.broadcast %broadcast_in_dim3A_363 : vector<400x1xf32> to vector<400x100xf32>
      %sub3A_365 = arith.subf %select_n3A_354, %sub3A_364 : vector<400x100xf32>
      %min3A_366 = arith.constant 0.000000e+00 : f32
      %min3A_367 = vector.broadcast %min3A_366 : f32 to vector<400x100xf32>
      %min3A_368 = arith.minimumf %sub3A_365, %min3A_367 : vector<400x100xf32>
      %exp3A_369 = math.exp %min3A_368 : vector<400x100xf32>
      %mul3A_370 = arith.mulf %dot_general3A_89, %exp3A_369 : vector<400x100xf32>
      %reduce_sum3A_371 = arith.constant dense<0.000000e+00> : vector<400xf32>
      %reduce_sum3A_372 = vector.multi_reduction <add>, %mul3A_370, %reduce_sum3A_371 [1] : vector<400x100xf32> to vector<400xf32>
      %broadcast_in_dim3A_373 = vector.shape_cast %reduce_sum3A_372 : vector<400xf32> to vector<400x1xf32>
      %add3A_374 = arith.constant 1.000000e-16 : f32
      %add3A_375 = vector.broadcast %add3A_374 : f32 to vector<400x1xf32>
      %add3A_376 = arith.addf %broadcast_in_dim3A_373, %add3A_375 : vector<400x1xf32>
      %div3A_377 = vector.broadcast %add3A_376 : vector<400x1xf32> to vector<400x100xf32>
      %div3A_378 = arith.divf %mul3A_370, %div3A_377 : vector<400x100xf32>
      %mul3A_379 = arith.constant 8 : i32
      %mul3A_380 = arith.muli %mul3A_379, %scan3A_158 : i32
      %add3A_381 = arith.constant 4 : i32
      %add3A_382 = arith.addi %mul3A_380, %add3A_381 : i32
      %mul3A_383 = arith.constant 400 : i32
      %mul3A_384 = arith.muli %add3A_382, %mul3A_383 : i32
      %get3A_385 = arith.index_cast %mul3A_384 : i32 to index
      %get3A_386 = arith.constant 0 : index
      %get3A_387 = vector.load %arg0[%get3A_385, %get3A_386] : memref<12800x64xf32, #tpu.memory_space<vmem>>, vector<400x64xf32>
      %dot_general3A_388 = arith.constant dense<0.000000e+00> : vector<400x64xf32>
      %dot_general3A_389 = tpu.matmul %get3A_387, %get3A_1, %dot_general3A_388 {dimension_numbers = #tpu.dot_dimension_numbers<[1], [1], [0], [0], [0, 0, 1, 0], [], []>, precision = #tpu.contract_precision<fp32>, transpose_lhs_hint = false} : vector<400x64xf32>, vector<64x64xf32>, vector<400x64xf32> -> vector<400x64xf32>
      %dot_general3A_390 = arith.constant dense<0.000000e+00> : vector<400x1xf32>
      %dot_general3A_391 = tpu.matmul %dot_general3A_389, %get3A_4, %dot_general3A_390 {dimension_numbers = #tpu.dot_dimension_numbers<[1], [1], [0], [0], [0, 0, 1, 0], [], []>, precision = #tpu.contract_precision<fp32>, transpose_lhs_hint = false} : vector<400x64xf32>, vector<1x64xf32>, vector<400x1xf32> -> vector<400x1xf32>
      %add3A_392 = arith.addf %dot_general3A_391, %dot_general3A_94 : vector<400x1xf32>
      %dot_general3A_393 = arith.constant dense<0.000000e+00> : vector<400x1xf32>
      %dot_general3A_394 = tpu.matmul %dot_general3A_389, %get3A_7, %dot_general3A_393 {dimension_numbers = #tpu.dot_dimension_numbers<[1], [1], [0], [0], [0, 0, 1, 0], [], []>, precision = #tpu.contract_precision<fp32>, transpose_lhs_hint = false} : vector<400x64xf32>, vector<1x64xf32>, vector<400x1xf32> -> vector<400x1xf32>
      %add3A_395 = arith.addf %dot_general3A_394, %dot_general3A_99 : vector<400x1xf32>
      %mul3A_396 = vector.broadcast %add3A_395 : vector<400x1xf32> to vector<400x100xf32>
      %mul3A_397 = arith.mulf %mul3A_396, %slice3A : vector<400x100xf32>
      %dot_general3A_398 = arith.constant dense<0.000000e+00> : vector<4x100xf32>
      %dot_general3A_399 = tpu.matmul %convert_element_type3A_43, %mul3A_397, %dot_general3A_398 {dimension_numbers = #tpu.dot_dimension_numbers<[1], [0], [0], [1], [0, 0, 1, 1], [], []>, precision = #tpu.contract_precision<fp32>, transpose_lhs_hint = false} : vector<4x400xf32>, vector<400x100xf32>, vector<4x100xf32> -> vector<4x100xf32>
      %dot_general3A_400 = arith.constant dense<0.000000e+00> : vector<400x100xf32>
      %dot_general3A_401 = tpu.matmul %convert_element_type3A_43, %dot_general3A_399, %dot_general3A_400 {dimension_numbers = #tpu.dot_dimension_numbers<[0], [0], [1], [1], [0, 1, 1, 1], [], []>, precision = #tpu.contract_precision<fp32>, transpose_lhs_hint = false} : vector<4x400xf32>, vector<4x100xf32>, vector<400x100xf32> -> vector<400x100xf32>
      %add3A_402 = vector.broadcast %add3A_392 : vector<400x1xf32> to vector<400x100xf32>
      %add3A_403 = arith.addf %add3A_402, %dot_general3A_401 : vector<400x100xf32>
      %ge3A_404 = arith.constant 0.000000e+00 : f32
      %ge3A_405 = vector.broadcast %ge3A_404 : f32 to vector<400x100xf32>
      %ge3A_406 = arith.cmpf oge, %add3A_403, %ge3A_405 : vector<400x100xf32>
      %mul3A_407 = arith.constant 2.000000e-01 : f32
      %mul3A_408 = vector.broadcast %mul3A_407 : f32 to vector<400x100xf32>
      %mul3A_409 = arith.mulf %mul3A_408, %add3A_403 : vector<400x100xf32>
      %select_n3A_410 = arith.select %ge3A_406, %add3A_403, %mul3A_409 : vector<400x100xi1>, vector<400x100xf32>
      %gt3A_411 = arith.constant 0.000000e+00 : f32
      %gt3A_412 = vector.broadcast %gt3A_411 : f32 to vector<400x100xf32>
      %gt3A_413 = arith.cmpf ogt, %dot_general3A_89, %gt3A_412 : vector<400x100xf32>
      %jit3A_414 = arith.constant -1.000000e+30 : f32
      %broadcast_in_dim3A_415 = vector.broadcast %jit3A_414 : f32 to vector<400x100xf32>
      %select_n3A_416 = arith.select %gt3A_413, %select_n3A_410, %broadcast_in_dim3A_415 : vector<400x100xi1>, vector<400x100xf32>
      %reduce_max3A_417 = arith.constant dense<0xFF800000> : vector<400xf32>
      %reduce_max3A_418 = vector.multi_reduction <maximumf>, %select_n3A_416, %reduce_max3A_417 [1] : vector<400x100xf32> to vector<400xf32>
      %broadcast_in_dim3A_419 = vector.shape_cast %reduce_max3A_418 : vector<400xf32> to vector<400x1xf32>
      %sub3A_420 = vector.broadcast %broadcast_in_dim3A_419 : vector<400x1xf32> to vector<400x100xf32>
      %sub3A_421 = arith.subf %select_n3A_410, %sub3A_420 : vector<400x100xf32>
      %min3A_422 = arith.constant 0.000000e+00 : f32
      %min3A_423 = vector.broadcast %min3A_422 : f32 to vector<400x100xf32>
      %min3A_424 = arith.minimumf %sub3A_421, %min3A_423 : vector<400x100xf32>
      %exp3A_425 = math.exp %min3A_424 : vector<400x100xf32>
      %mul3A_426 = arith.mulf %dot_general3A_89, %exp3A_425 : vector<400x100xf32>
      %reduce_sum3A_427 = arith.constant dense<0.000000e+00> : vector<400xf32>
      %reduce_sum3A_428 = vector.multi_reduction <add>, %mul3A_426, %reduce_sum3A_427 [1] : vector<400x100xf32> to vector<400xf32>
      %broadcast_in_dim3A_429 = vector.shape_cast %reduce_sum3A_428 : vector<400xf32> to vector<400x1xf32>
      %add3A_430 = arith.constant 1.000000e-16 : f32
      %add3A_431 = vector.broadcast %add3A_430 : f32 to vector<400x1xf32>
      %add3A_432 = arith.addf %broadcast_in_dim3A_429, %add3A_431 : vector<400x1xf32>
      %div3A_433 = vector.broadcast %add3A_432 : vector<400x1xf32> to vector<400x100xf32>
      %div3A_434 = arith.divf %mul3A_426, %div3A_433 : vector<400x100xf32>
      %mul3A_435 = arith.constant 8 : i32
      %mul3A_436 = arith.muli %mul3A_435, %scan3A_158 : i32
      %add3A_437 = arith.constant 5 : i32
      %add3A_438 = arith.addi %mul3A_436, %add3A_437 : i32
      %mul3A_439 = arith.constant 400 : i32
      %mul3A_440 = arith.muli %add3A_438, %mul3A_439 : i32
      %get3A_441 = arith.index_cast %mul3A_440 : i32 to index
      %get3A_442 = arith.constant 0 : index
      %get3A_443 = vector.load %arg0[%get3A_441, %get3A_442] : memref<12800x64xf32, #tpu.memory_space<vmem>>, vector<400x64xf32>
      %dot_general3A_444 = arith.constant dense<0.000000e+00> : vector<400x64xf32>
      %dot_general3A_445 = tpu.matmul %get3A_443, %get3A_1, %dot_general3A_444 {dimension_numbers = #tpu.dot_dimension_numbers<[1], [1], [0], [0], [0, 0, 1, 0], [], []>, precision = #tpu.contract_precision<fp32>, transpose_lhs_hint = false} : vector<400x64xf32>, vector<64x64xf32>, vector<400x64xf32> -> vector<400x64xf32>
      %dot_general3A_446 = arith.constant dense<0.000000e+00> : vector<400x1xf32>
      %dot_general3A_447 = tpu.matmul %dot_general3A_445, %get3A_4, %dot_general3A_446 {dimension_numbers = #tpu.dot_dimension_numbers<[1], [1], [0], [0], [0, 0, 1, 0], [], []>, precision = #tpu.contract_precision<fp32>, transpose_lhs_hint = false} : vector<400x64xf32>, vector<1x64xf32>, vector<400x1xf32> -> vector<400x1xf32>
      %add3A_448 = arith.addf %dot_general3A_447, %dot_general3A_94 : vector<400x1xf32>
      %dot_general3A_449 = arith.constant dense<0.000000e+00> : vector<400x1xf32>
      %dot_general3A_450 = tpu.matmul %dot_general3A_445, %get3A_7, %dot_general3A_449 {dimension_numbers = #tpu.dot_dimension_numbers<[1], [1], [0], [0], [0, 0, 1, 0], [], []>, precision = #tpu.contract_precision<fp32>, transpose_lhs_hint = false} : vector<400x64xf32>, vector<1x64xf32>, vector<400x1xf32> -> vector<400x1xf32>
      %add3A_451 = arith.addf %dot_general3A_450, %dot_general3A_99 : vector<400x1xf32>
      %mul3A_452 = vector.broadcast %add3A_451 : vector<400x1xf32> to vector<400x100xf32>
      %mul3A_453 = arith.mulf %mul3A_452, %slice3A : vector<400x100xf32>
      %dot_general3A_454 = arith.constant dense<0.000000e+00> : vector<4x100xf32>
      %dot_general3A_455 = tpu.matmul %convert_element_type3A_43, %mul3A_453, %dot_general3A_454 {dimension_numbers = #tpu.dot_dimension_numbers<[1], [0], [0], [1], [0, 0, 1, 1], [], []>, precision = #tpu.contract_precision<fp32>, transpose_lhs_hint = false} : vector<4x400xf32>, vector<400x100xf32>, vector<4x100xf32> -> vector<4x100xf32>
      %dot_general3A_456 = arith.constant dense<0.000000e+00> : vector<400x100xf32>
      %dot_general3A_457 = tpu.matmul %convert_element_type3A_43, %dot_general3A_455, %dot_general3A_456 {dimension_numbers = #tpu.dot_dimension_numbers<[0], [0], [1], [1], [0, 1, 1, 1], [], []>, precision = #tpu.contract_precision<fp32>, transpose_lhs_hint = false} : vector<4x400xf32>, vector<4x100xf32>, vector<400x100xf32> -> vector<400x100xf32>
      %add3A_458 = vector.broadcast %add3A_448 : vector<400x1xf32> to vector<400x100xf32>
      %add3A_459 = arith.addf %add3A_458, %dot_general3A_457 : vector<400x100xf32>
      %ge3A_460 = arith.constant 0.000000e+00 : f32
      %ge3A_461 = vector.broadcast %ge3A_460 : f32 to vector<400x100xf32>
      %ge3A_462 = arith.cmpf oge, %add3A_459, %ge3A_461 : vector<400x100xf32>
      %mul3A_463 = arith.constant 2.000000e-01 : f32
      %mul3A_464 = vector.broadcast %mul3A_463 : f32 to vector<400x100xf32>
      %mul3A_465 = arith.mulf %mul3A_464, %add3A_459 : vector<400x100xf32>
      %select_n3A_466 = arith.select %ge3A_462, %add3A_459, %mul3A_465 : vector<400x100xi1>, vector<400x100xf32>
      %gt3A_467 = arith.constant 0.000000e+00 : f32
      %gt3A_468 = vector.broadcast %gt3A_467 : f32 to vector<400x100xf32>
      %gt3A_469 = arith.cmpf ogt, %dot_general3A_89, %gt3A_468 : vector<400x100xf32>
      %jit3A_470 = arith.constant -1.000000e+30 : f32
      %broadcast_in_dim3A_471 = vector.broadcast %jit3A_470 : f32 to vector<400x100xf32>
      %select_n3A_472 = arith.select %gt3A_469, %select_n3A_466, %broadcast_in_dim3A_471 : vector<400x100xi1>, vector<400x100xf32>
      %reduce_max3A_473 = arith.constant dense<0xFF800000> : vector<400xf32>
      %reduce_max3A_474 = vector.multi_reduction <maximumf>, %select_n3A_472, %reduce_max3A_473 [1] : vector<400x100xf32> to vector<400xf32>
      %broadcast_in_dim3A_475 = vector.shape_cast %reduce_max3A_474 : vector<400xf32> to vector<400x1xf32>
      %sub3A_476 = vector.broadcast %broadcast_in_dim3A_475 : vector<400x1xf32> to vector<400x100xf32>
      %sub3A_477 = arith.subf %select_n3A_466, %sub3A_476 : vector<400x100xf32>
      %min3A_478 = arith.constant 0.000000e+00 : f32
      %min3A_479 = vector.broadcast %min3A_478 : f32 to vector<400x100xf32>
      %min3A_480 = arith.minimumf %sub3A_477, %min3A_479 : vector<400x100xf32>
      %exp3A_481 = math.exp %min3A_480 : vector<400x100xf32>
      %mul3A_482 = arith.mulf %dot_general3A_89, %exp3A_481 : vector<400x100xf32>
      %reduce_sum3A_483 = arith.constant dense<0.000000e+00> : vector<400xf32>
      %reduce_sum3A_484 = vector.multi_reduction <add>, %mul3A_482, %reduce_sum3A_483 [1] : vector<400x100xf32> to vector<400xf32>
      %broadcast_in_dim3A_485 = vector.shape_cast %reduce_sum3A_484 : vector<400xf32> to vector<400x1xf32>
      %add3A_486 = arith.constant 1.000000e-16 : f32
      %add3A_487 = vector.broadcast %add3A_486 : f32 to vector<400x1xf32>
      %add3A_488 = arith.addf %broadcast_in_dim3A_485, %add3A_487 : vector<400x1xf32>
      %div3A_489 = vector.broadcast %add3A_488 : vector<400x1xf32> to vector<400x100xf32>
      %div3A_490 = arith.divf %mul3A_482, %div3A_489 : vector<400x100xf32>
      %mul3A_491 = arith.constant 8 : i32
      %mul3A_492 = arith.muli %mul3A_491, %scan3A_158 : i32
      %add3A_493 = arith.constant 6 : i32
      %add3A_494 = arith.addi %mul3A_492, %add3A_493 : i32
      %mul3A_495 = arith.constant 400 : i32
      %mul3A_496 = arith.muli %add3A_494, %mul3A_495 : i32
      %get3A_497 = arith.index_cast %mul3A_496 : i32 to index
      %get3A_498 = arith.constant 0 : index
      %get3A_499 = vector.load %arg0[%get3A_497, %get3A_498] : memref<12800x64xf32, #tpu.memory_space<vmem>>, vector<400x64xf32>
      %dot_general3A_500 = arith.constant dense<0.000000e+00> : vector<400x64xf32>
      %dot_general3A_501 = tpu.matmul %get3A_499, %get3A_1, %dot_general3A_500 {dimension_numbers = #tpu.dot_dimension_numbers<[1], [1], [0], [0], [0, 0, 1, 0], [], []>, precision = #tpu.contract_precision<fp32>, transpose_lhs_hint = false} : vector<400x64xf32>, vector<64x64xf32>, vector<400x64xf32> -> vector<400x64xf32>
      %dot_general3A_502 = arith.constant dense<0.000000e+00> : vector<400x1xf32>
      %dot_general3A_503 = tpu.matmul %dot_general3A_501, %get3A_4, %dot_general3A_502 {dimension_numbers = #tpu.dot_dimension_numbers<[1], [1], [0], [0], [0, 0, 1, 0], [], []>, precision = #tpu.contract_precision<fp32>, transpose_lhs_hint = false} : vector<400x64xf32>, vector<1x64xf32>, vector<400x1xf32> -> vector<400x1xf32>
      %add3A_504 = arith.addf %dot_general3A_503, %dot_general3A_94 : vector<400x1xf32>
      %dot_general3A_505 = arith.constant dense<0.000000e+00> : vector<400x1xf32>
      %dot_general3A_506 = tpu.matmul %dot_general3A_501, %get3A_7, %dot_general3A_505 {dimension_numbers = #tpu.dot_dimension_numbers<[1], [1], [0], [0], [0, 0, 1, 0], [], []>, precision = #tpu.contract_precision<fp32>, transpose_lhs_hint = false} : vector<400x64xf32>, vector<1x64xf32>, vector<400x1xf32> -> vector<400x1xf32>
      %add3A_507 = arith.addf %dot_general3A_506, %dot_general3A_99 : vector<400x1xf32>
      %mul3A_508 = vector.broadcast %add3A_507 : vector<400x1xf32> to vector<400x100xf32>
      %mul3A_509 = arith.mulf %mul3A_508, %slice3A : vector<400x100xf32>
      %dot_general3A_510 = arith.constant dense<0.000000e+00> : vector<4x100xf32>
      %dot_general3A_511 = tpu.matmul %convert_element_type3A_43, %mul3A_509, %dot_general3A_510 {dimension_numbers = #tpu.dot_dimension_numbers<[1], [0], [0], [1], [0, 0, 1, 1], [], []>, precision = #tpu.contract_precision<fp32>, transpose_lhs_hint = false} : vector<4x400xf32>, vector<400x100xf32>, vector<4x100xf32> -> vector<4x100xf32>
      %dot_general3A_512 = arith.constant dense<0.000000e+00> : vector<400x100xf32>
      %dot_general3A_513 = tpu.matmul %convert_element_type3A_43, %dot_general3A_511, %dot_general3A_512 {dimension_numbers = #tpu.dot_dimension_numbers<[0], [0], [1], [1], [0, 1, 1, 1], [], []>, precision = #tpu.contract_precision<fp32>, transpose_lhs_hint = false} : vector<4x400xf32>, vector<4x100xf32>, vector<400x100xf32> -> vector<400x100xf32>
      %add3A_514 = vector.broadcast %add3A_504 : vector<400x1xf32> to vector<400x100xf32>
      %add3A_515 = arith.addf %add3A_514, %dot_general3A_513 : vector<400x100xf32>
      %ge3A_516 = arith.constant 0.000000e+00 : f32
      %ge3A_517 = vector.broadcast %ge3A_516 : f32 to vector<400x100xf32>
      %ge3A_518 = arith.cmpf oge, %add3A_515, %ge3A_517 : vector<400x100xf32>
      %mul3A_519 = arith.constant 2.000000e-01 : f32
      %mul3A_520 = vector.broadcast %mul3A_519 : f32 to vector<400x100xf32>
      %mul3A_521 = arith.mulf %mul3A_520, %add3A_515 : vector<400x100xf32>
      %select_n3A_522 = arith.select %ge3A_518, %add3A_515, %mul3A_521 : vector<400x100xi1>, vector<400x100xf32>
      %gt3A_523 = arith.constant 0.000000e+00 : f32
      %gt3A_524 = vector.broadcast %gt3A_523 : f32 to vector<400x100xf32>
      %gt3A_525 = arith.cmpf ogt, %dot_general3A_89, %gt3A_524 : vector<400x100xf32>
      %jit3A_526 = arith.constant -1.000000e+30 : f32
      %broadcast_in_dim3A_527 = vector.broadcast %jit3A_526 : f32 to vector<400x100xf32>
      %select_n3A_528 = arith.select %gt3A_525, %select_n3A_522, %broadcast_in_dim3A_527 : vector<400x100xi1>, vector<400x100xf32>
      %reduce_max3A_529 = arith.constant dense<0xFF800000> : vector<400xf32>
      %reduce_max3A_530 = vector.multi_reduction <maximumf>, %select_n3A_528, %reduce_max3A_529 [1] : vector<400x100xf32> to vector<400xf32>
      %broadcast_in_dim3A_531 = vector.shape_cast %reduce_max3A_530 : vector<400xf32> to vector<400x1xf32>
      %sub3A_532 = vector.broadcast %broadcast_in_dim3A_531 : vector<400x1xf32> to vector<400x100xf32>
      %sub3A_533 = arith.subf %select_n3A_522, %sub3A_532 : vector<400x100xf32>
      %min3A_534 = arith.constant 0.000000e+00 : f32
      %min3A_535 = vector.broadcast %min3A_534 : f32 to vector<400x100xf32>
      %min3A_536 = arith.minimumf %sub3A_533, %min3A_535 : vector<400x100xf32>
      %exp3A_537 = math.exp %min3A_536 : vector<400x100xf32>
      %mul3A_538 = arith.mulf %dot_general3A_89, %exp3A_537 : vector<400x100xf32>
      %reduce_sum3A_539 = arith.constant dense<0.000000e+00> : vector<400xf32>
      %reduce_sum3A_540 = vector.multi_reduction <add>, %mul3A_538, %reduce_sum3A_539 [1] : vector<400x100xf32> to vector<400xf32>
      %broadcast_in_dim3A_541 = vector.shape_cast %reduce_sum3A_540 : vector<400xf32> to vector<400x1xf32>
      %add3A_542 = arith.constant 1.000000e-16 : f32
      %add3A_543 = vector.broadcast %add3A_542 : f32 to vector<400x1xf32>
      %add3A_544 = arith.addf %broadcast_in_dim3A_541, %add3A_543 : vector<400x1xf32>
      %div3A_545 = vector.broadcast %add3A_544 : vector<400x1xf32> to vector<400x100xf32>
      %div3A_546 = arith.divf %mul3A_538, %div3A_545 : vector<400x100xf32>
      %mul3A_547 = arith.constant 8 : i32
      %mul3A_548 = arith.muli %mul3A_547, %scan3A_158 : i32
      %add3A_549 = arith.constant 7 : i32
      %add3A_550 = arith.addi %mul3A_548, %add3A_549 : i32
      %mul3A_551 = arith.constant 400 : i32
      %mul3A_552 = arith.muli %add3A_550, %mul3A_551 : i32
      %get3A_553 = arith.index_cast %mul3A_552 : i32 to index
      %get3A_554 = arith.constant 0 : index
      %get3A_555 = vector.load %arg0[%get3A_553, %get3A_554] : memref<12800x64xf32, #tpu.memory_space<vmem>>, vector<400x64xf32>
      %dot_general3A_556 = arith.constant dense<0.000000e+00> : vector<400x64xf32>
      %dot_general3A_557 = tpu.matmul %get3A_555, %get3A_1, %dot_general3A_556 {dimension_numbers = #tpu.dot_dimension_numbers<[1], [1], [0], [0], [0, 0, 1, 0], [], []>, precision = #tpu.contract_precision<fp32>, transpose_lhs_hint = false} : vector<400x64xf32>, vector<64x64xf32>, vector<400x64xf32> -> vector<400x64xf32>
      %dot_general3A_558 = arith.constant dense<0.000000e+00> : vector<400x1xf32>
      %dot_general3A_559 = tpu.matmul %dot_general3A_557, %get3A_4, %dot_general3A_558 {dimension_numbers = #tpu.dot_dimension_numbers<[1], [1], [0], [0], [0, 0, 1, 0], [], []>, precision = #tpu.contract_precision<fp32>, transpose_lhs_hint = false} : vector<400x64xf32>, vector<1x64xf32>, vector<400x1xf32> -> vector<400x1xf32>
      %add3A_560 = arith.addf %dot_general3A_559, %dot_general3A_94 : vector<400x1xf32>
      %dot_general3A_561 = arith.constant dense<0.000000e+00> : vector<400x1xf32>
      %dot_general3A_562 = tpu.matmul %dot_general3A_557, %get3A_7, %dot_general3A_561 {dimension_numbers = #tpu.dot_dimension_numbers<[1], [1], [0], [0], [0, 0, 1, 0], [], []>, precision = #tpu.contract_precision<fp32>, transpose_lhs_hint = false} : vector<400x64xf32>, vector<1x64xf32>, vector<400x1xf32> -> vector<400x1xf32>
      %add3A_563 = arith.addf %dot_general3A_562, %dot_general3A_99 : vector<400x1xf32>
      %mul3A_564 = vector.broadcast %add3A_563 : vector<400x1xf32> to vector<400x100xf32>
      %mul3A_565 = arith.mulf %mul3A_564, %slice3A : vector<400x100xf32>
      %dot_general3A_566 = arith.constant dense<0.000000e+00> : vector<4x100xf32>
      %dot_general3A_567 = tpu.matmul %convert_element_type3A_43, %mul3A_565, %dot_general3A_566 {dimension_numbers = #tpu.dot_dimension_numbers<[1], [0], [0], [1], [0, 0, 1, 1], [], []>, precision = #tpu.contract_precision<fp32>, transpose_lhs_hint = false} : vector<4x400xf32>, vector<400x100xf32>, vector<4x100xf32> -> vector<4x100xf32>
      %dot_general3A_568 = arith.constant dense<0.000000e+00> : vector<400x100xf32>
      %dot_general3A_569 = tpu.matmul %convert_element_type3A_43, %dot_general3A_567, %dot_general3A_568 {dimension_numbers = #tpu.dot_dimension_numbers<[0], [0], [1], [1], [0, 1, 1, 1], [], []>, precision = #tpu.contract_precision<fp32>, transpose_lhs_hint = false} : vector<4x400xf32>, vector<4x100xf32>, vector<400x100xf32> -> vector<400x100xf32>
      %add3A_570 = vector.broadcast %add3A_560 : vector<400x1xf32> to vector<400x100xf32>
      %add3A_571 = arith.addf %add3A_570, %dot_general3A_569 : vector<400x100xf32>
      %ge3A_572 = arith.constant 0.000000e+00 : f32
      %ge3A_573 = vector.broadcast %ge3A_572 : f32 to vector<400x100xf32>
      %ge3A_574 = arith.cmpf oge, %add3A_571, %ge3A_573 : vector<400x100xf32>
      %mul3A_575 = arith.constant 2.000000e-01 : f32
      %mul3A_576 = vector.broadcast %mul3A_575 : f32 to vector<400x100xf32>
      %mul3A_577 = arith.mulf %mul3A_576, %add3A_571 : vector<400x100xf32>
      %select_n3A_578 = arith.select %ge3A_574, %add3A_571, %mul3A_577 : vector<400x100xi1>, vector<400x100xf32>
      %gt3A_579 = arith.constant 0.000000e+00 : f32
      %gt3A_580 = vector.broadcast %gt3A_579 : f32 to vector<400x100xf32>
      %gt3A_581 = arith.cmpf ogt, %dot_general3A_89, %gt3A_580 : vector<400x100xf32>
      %jit3A_582 = arith.constant -1.000000e+30 : f32
      %broadcast_in_dim3A_583 = vector.broadcast %jit3A_582 : f32 to vector<400x100xf32>
      %select_n3A_584 = arith.select %gt3A_581, %select_n3A_578, %broadcast_in_dim3A_583 : vector<400x100xi1>, vector<400x100xf32>
      %reduce_max3A_585 = arith.constant dense<0xFF800000> : vector<400xf32>
      %reduce_max3A_586 = vector.multi_reduction <maximumf>, %select_n3A_584, %reduce_max3A_585 [1] : vector<400x100xf32> to vector<400xf32>
      %broadcast_in_dim3A_587 = vector.shape_cast %reduce_max3A_586 : vector<400xf32> to vector<400x1xf32>
      %sub3A_588 = vector.broadcast %broadcast_in_dim3A_587 : vector<400x1xf32> to vector<400x100xf32>
      %sub3A_589 = arith.subf %select_n3A_578, %sub3A_588 : vector<400x100xf32>
      %min3A_590 = arith.constant 0.000000e+00 : f32
      %min3A_591 = vector.broadcast %min3A_590 : f32 to vector<400x100xf32>
      %min3A_592 = arith.minimumf %sub3A_589, %min3A_591 : vector<400x100xf32>
      %exp3A_593 = math.exp %min3A_592 : vector<400x100xf32>
      %mul3A_594 = arith.mulf %dot_general3A_89, %exp3A_593 : vector<400x100xf32>
      %reduce_sum3A_595 = arith.constant dense<0.000000e+00> : vector<400xf32>
      %reduce_sum3A_596 = vector.multi_reduction <add>, %mul3A_594, %reduce_sum3A_595 [1] : vector<400x100xf32> to vector<400xf32>
      %broadcast_in_dim3A_597 = vector.shape_cast %reduce_sum3A_596 : vector<400xf32> to vector<400x1xf32>
      %add3A_598 = arith.constant 1.000000e-16 : f32
      %add3A_599 = vector.broadcast %add3A_598 : f32 to vector<400x1xf32>
      %add3A_600 = arith.addf %broadcast_in_dim3A_597, %add3A_599 : vector<400x1xf32>
      %div3A_601 = vector.broadcast %add3A_600 : vector<400x1xf32> to vector<400x100xf32>
      %div3A_602 = arith.divf %mul3A_594, %div3A_601 : vector<400x100xf32>
      %mul3A_603 = arith.constant 8 : i32
      %mul3A_604 = arith.muli %mul3A_603, %scan3A_158 : i32
      %add3A_605 = arith.constant 0 : i32
      %add3A_606 = arith.addi %mul3A_604, %add3A_605 : i32
      %mul3A_607 = arith.constant 400 : i32
      %mul3A_608 = arith.muli %add3A_606, %mul3A_607 : i32
      %slice3A_609 = vector.extract_strided_slice %div3A_210 {offsets = [0, 0], sizes = [100, 100], strides = [1, 1]} : vector<400x100xf32> to vector<100x100xf32>
      %slice3A_610 = vector.extract_strided_slice %dot_general3A_171 {offsets = [0, 0], sizes = [100, 64], strides = [1, 1]} : vector<400x64xf32> to vector<100x64xf32>
      %dot_general3A_611 = arith.constant dense<0.000000e+00> : vector<100x64xf32>
      %dot_general3A_612 = tpu.matmul %slice3A_609, %slice3A_610, %dot_general3A_611 {dimension_numbers = #tpu.dot_dimension_numbers<[1], [0], [0], [1], [0, 0, 1, 1], [], []>, precision = #tpu.contract_precision<fp32>, transpose_lhs_hint = false} : vector<100x100xf32>, vector<100x64xf32>, vector<100x64xf32> -> vector<100x64xf32>
      %slice3A_613 = vector.extract_strided_slice %div3A_210 {offsets = [100, 0], sizes = [100, 100], strides = [1, 1]} : vector<400x100xf32> to vector<100x100xf32>
      %slice3A_614 = vector.extract_strided_slice %dot_general3A_171 {offsets = [100, 0], sizes = [100, 64], strides = [1, 1]} : vector<400x64xf32> to vector<100x64xf32>
      %dot_general3A_615 = arith.constant dense<0.000000e+00> : vector<100x64xf32>
      %dot_general3A_616 = tpu.matmul %slice3A_613, %slice3A_614, %dot_general3A_615 {dimension_numbers = #tpu.dot_dimension_numbers<[1], [0], [0], [1], [0, 0, 1, 1], [], []>, precision = #tpu.contract_precision<fp32>, transpose_lhs_hint = false} : vector<100x100xf32>, vector<100x64xf32>, vector<100x64xf32> -> vector<100x64xf32>
      %slice3A_617 = vector.extract_strided_slice %div3A_210 {offsets = [200, 0], sizes = [100, 100], strides = [1, 1]} : vector<400x100xf32> to vector<100x100xf32>
      %slice3A_618 = vector.extract_strided_slice %dot_general3A_171 {offsets = [200, 0], sizes = [100, 64], strides = [1, 1]} : vector<400x64xf32> to vector<100x64xf32>
      %dot_general3A_619 = arith.constant dense<0.000000e+00> : vector<100x64xf32>
      %dot_general3A_620 = tpu.matmul %slice3A_617, %slice3A_618, %dot_general3A_619 {dimension_numbers = #tpu.dot_dimension_numbers<[1], [0], [0], [1], [0, 0, 1, 1], [], []>, precision = #tpu.contract_precision<fp32>, transpose_lhs_hint = false} : vector<100x100xf32>, vector<100x64xf32>, vector<100x64xf32> -> vector<100x64xf32>
      %slice3A_621 = vector.extract_strided_slice %div3A_210 {offsets = [300, 0], sizes = [100, 100], strides = [1, 1]} : vector<400x100xf32> to vector<100x100xf32>
      %slice3A_622 = vector.extract_strided_slice %dot_general3A_171 {offsets = [300, 0], sizes = [100, 64], strides = [1, 1]} : vector<400x64xf32> to vector<100x64xf32>
      %dot_general3A_623 = arith.constant dense<0.000000e+00> : vector<100x64xf32>
      %dot_general3A_624 = tpu.matmul %slice3A_621, %slice3A_622, %dot_general3A_623 {dimension_numbers = #tpu.dot_dimension_numbers<[1], [0], [0], [1], [0, 0, 1, 1], [], []>, precision = #tpu.contract_precision<fp32>, transpose_lhs_hint = false} : vector<100x100xf32>, vector<100x64xf32>, vector<100x64xf32> -> vector<100x64xf32>
      %concatenate3A = tpu.concatenate %dot_general3A_612, %dot_general3A_616, %dot_general3A_620, %dot_general3A_624 in 0 : vector<100x64xf32>, vector<100x64xf32>, vector<100x64xf32>, vector<100x64xf32> -> vector<400x64xf32>
      %add3A_625 = vector.broadcast %get3A_10 : vector<1x64xf32> to vector<400x64xf32>
      %add3A_626 = arith.addf %concatenate3A, %add3A_625 : vector<400x64xf32>
      %swap3A = arith.index_cast %mul3A_608 : i32 to index
      %swap3A_627 = arith.constant 0 : index
      %swap3A_628 = vector.load %arg16[%swap3A, %swap3A_627] : memref<12800x64xf32, #tpu.memory_space<vmem>>, vector<400x64xf32>
      tpu.vector_store %arg16[%swap3A, %swap3A_627], %add3A_626 {strides = array<i32>} : memref<12800x64xf32, #tpu.memory_space<vmem>>, vector<400x64xf32>,
      %reduce_sum3A_629 = arith.constant dense<0.000000e+00> : vector<64xf32>
      %reduce_sum3A_630 = vector.multi_reduction <add>, %add3A_626, %reduce_sum3A_629 [0] : vector<400x64xf32> to vector<64xf32>
      %broadcast_in_dim3A_631 = vector.shape_cast %reduce_sum3A_630 : vector<64xf32> to vector<1x64xf32>
      %add3A_632 = arith.addf %scan3A_159, %broadcast_in_dim3A_631 : vector<1x64xf32>
      %mul3A_633 = arith.mulf %add3A_626, %add3A_626 : vector<400x64xf32>
      %reduce_sum3A_634 = arith.constant dense<0.000000e+00> : vector<64xf32>
      %reduce_sum3A_635 = vector.multi_reduction <add>, %mul3A_633, %reduce_sum3A_634 [0] : vector<400x64xf32> to vector<64xf32>
      %broadcast_in_dim3A_636 = vector.shape_cast %reduce_sum3A_635 : vector<64xf32> to vector<1x64xf32>
      %add3A_637 = arith.addf %scan3A_160, %broadcast_in_dim3A_636 : vector<1x64xf32>
      %mul3A_638 = arith.constant 8 : i32
      %mul3A_639 = arith.muli %mul3A_638, %scan3A_158 : i32
      %add3A_640 = arith.constant 1 : i32
      %add3A_641 = arith.addi %mul3A_639, %add3A_640 : i32
      %mul3A_642 = arith.constant 400 : i32
      %mul3A_643 = arith.muli %add3A_641, %mul3A_642 : i32
      %slice3A_644 = vector.extract_strided_slice %div3A_266 {offsets = [0, 0], sizes = [100, 100], strides = [1, 1]} : vector<400x100xf32> to vector<100x100xf32>
      %slice3A_645 = vector.extract_strided_slice %dot_general3A_221 {offsets = [0, 0], sizes = [100, 64], strides = [1, 1]} : vector<400x64xf32> to vector<100x64xf32>
      %dot_general3A_646 = arith.constant dense<0.000000e+00> : vector<100x64xf32>
      %dot_general3A_647 = tpu.matmul %slice3A_644, %slice3A_645, %dot_general3A_646 {dimension_numbers = #tpu.dot_dimension_numbers<[1], [0], [0], [1], [0, 0, 1, 1], [], []>, precision = #tpu.contract_precision<fp32>, transpose_lhs_hint = false} : vector<100x100xf32>, vector<100x64xf32>, vector<100x64xf32> -> vector<100x64xf32>
      %slice3A_648 = vector.extract_strided_slice %div3A_266 {offsets = [100, 0], sizes = [100, 100], strides = [1, 1]} : vector<400x100xf32> to vector<100x100xf32>
      %slice3A_649 = vector.extract_strided_slice %dot_general3A_221 {offsets = [100, 0], sizes = [100, 64], strides = [1, 1]} : vector<400x64xf32> to vector<100x64xf32>
      %dot_general3A_650 = arith.constant dense<0.000000e+00> : vector<100x64xf32>
      %dot_general3A_651 = tpu.matmul %slice3A_648, %slice3A_649, %dot_general3A_650 {dimension_numbers = #tpu.dot_dimension_numbers<[1], [0], [0], [1], [0, 0, 1, 1], [], []>, precision = #tpu.contract_precision<fp32>, transpose_lhs_hint = false} : vector<100x100xf32>, vector<100x64xf32>, vector<100x64xf32> -> vector<100x64xf32>
      %slice3A_652 = vector.extract_strided_slice %div3A_266 {offsets = [200, 0], sizes = [100, 100], strides = [1, 1]} : vector<400x100xf32> to vector<100x100xf32>
      %slice3A_653 = vector.extract_strided_slice %dot_general3A_221 {offsets = [200, 0], sizes = [100, 64], strides = [1, 1]} : vector<400x64xf32> to vector<100x64xf32>
      %dot_general3A_654 = arith.constant dense<0.000000e+00> : vector<100x64xf32>
      %dot_general3A_655 = tpu.matmul %slice3A_652, %slice3A_653, %dot_general3A_654 {dimension_numbers = #tpu.dot_dimension_numbers<[1], [0], [0], [1], [0, 0, 1, 1], [], []>, precision = #tpu.contract_precision<fp32>, transpose_lhs_hint = false} : vector<100x100xf32>, vector<100x64xf32>, vector<100x64xf32> -> vector<100x64xf32>
      %slice3A_656 = vector.extract_strided_slice %div3A_266 {offsets = [300, 0], sizes = [100, 100], strides = [1, 1]} : vector<400x100xf32> to vector<100x100xf32>
      %slice3A_657 = vector.extract_strided_slice %dot_general3A_221 {offsets = [300, 0], sizes = [100, 64], strides = [1, 1]} : vector<400x64xf32> to vector<100x64xf32>
      %dot_general3A_658 = arith.constant dense<0.000000e+00> : vector<100x64xf32>
      %dot_general3A_659 = tpu.matmul %slice3A_656, %slice3A_657, %dot_general3A_658 {dimension_numbers = #tpu.dot_dimension_numbers<[1], [0], [0], [1], [0, 0, 1, 1], [], []>, precision = #tpu.contract_precision<fp32>, transpose_lhs_hint = false} : vector<100x100xf32>, vector<100x64xf32>, vector<100x64xf32> -> vector<100x64xf32>
      %concatenate3A_660 = tpu.concatenate %dot_general3A_647, %dot_general3A_651, %dot_general3A_655, %dot_general3A_659 in 0 : vector<100x64xf32>, vector<100x64xf32>, vector<100x64xf32>, vector<100x64xf32> -> vector<400x64xf32>
      %add3A_661 = vector.broadcast %get3A_10 : vector<1x64xf32> to vector<400x64xf32>
      %add3A_662 = arith.addf %concatenate3A_660, %add3A_661 : vector<400x64xf32>
      %swap3A_663 = arith.index_cast %mul3A_643 : i32 to index
      %swap3A_664 = arith.constant 0 : index
      %swap3A_665 = vector.load %arg16[%swap3A_663, %swap3A_664] : memref<12800x64xf32, #tpu.memory_space<vmem>>, vector<400x64xf32>
      tpu.vector_store %arg16[%swap3A_663, %swap3A_664], %add3A_662 {strides = array<i32>} : memref<12800x64xf32, #tpu.memory_space<vmem>>, vector<400x64xf32>,
      %reduce_sum3A_666 = arith.constant dense<0.000000e+00> : vector<64xf32>
      %reduce_sum3A_667 = vector.multi_reduction <add>, %add3A_662, %reduce_sum3A_666 [0] : vector<400x64xf32> to vector<64xf32>
      %broadcast_in_dim3A_668 = vector.shape_cast %reduce_sum3A_667 : vector<64xf32> to vector<1x64xf32>
      %add3A_669 = arith.addf %add3A_632, %broadcast_in_dim3A_668 : vector<1x64xf32>
      %mul3A_670 = arith.mulf %add3A_662, %add3A_662 : vector<400x64xf32>
      %reduce_sum3A_671 = arith.constant dense<0.000000e+00> : vector<64xf32>
      %reduce_sum3A_672 = vector.multi_reduction <add>, %mul3A_670, %reduce_sum3A_671 [0] : vector<400x64xf32> to vector<64xf32>
      %broadcast_in_dim3A_673 = vector.shape_cast %reduce_sum3A_672 : vector<64xf32> to vector<1x64xf32>
      %add3A_674 = arith.addf %add3A_637, %broadcast_in_dim3A_673 : vector<1x64xf32>
      %mul3A_675 = arith.constant 8 : i32
      %mul3A_676 = arith.muli %mul3A_675, %scan3A_158 : i32
      %add3A_677 = arith.constant 2 : i32
      %add3A_678 = arith.addi %mul3A_676, %add3A_677 : i32
      %mul3A_679 = arith.constant 400 : i32
      %mul3A_680 = arith.muli %add3A_678, %mul3A_679 : i32
      %slice3A_681 = vector.extract_strided_slice %div3A_322 {offsets = [0, 0], sizes = [100, 100], strides = [1, 1]} : vector<400x100xf32> to vector<100x100xf32>
      %slice3A_682 = vector.extract_strided_slice %dot_general3A_277 {offsets = [0, 0], sizes = [100, 64], strides = [1, 1]} : vector<400x64xf32> to vector<100x64xf32>
      %dot_general3A_683 = arith.constant dense<0.000000e+00> : vector<100x64xf32>
      %dot_general3A_684 = tpu.matmul %slice3A_681, %slice3A_682, %dot_general3A_683 {dimension_numbers = #tpu.dot_dimension_numbers<[1], [0], [0], [1], [0, 0, 1, 1], [], []>, precision = #tpu.contract_precision<fp32>, transpose_lhs_hint = false} : vector<100x100xf32>, vector<100x64xf32>, vector<100x64xf32> -> vector<100x64xf32>
      %slice3A_685 = vector.extract_strided_slice %div3A_322 {offsets = [100, 0], sizes = [100, 100], strides = [1, 1]} : vector<400x100xf32> to vector<100x100xf32>
      %slice3A_686 = vector.extract_strided_slice %dot_general3A_277 {offsets = [100, 0], sizes = [100, 64], strides = [1, 1]} : vector<400x64xf32> to vector<100x64xf32>
      %dot_general3A_687 = arith.constant dense<0.000000e+00> : vector<100x64xf32>
      %dot_general3A_688 = tpu.matmul %slice3A_685, %slice3A_686, %dot_general3A_687 {dimension_numbers = #tpu.dot_dimension_numbers<[1], [0], [0], [1], [0, 0, 1, 1], [], []>, precision = #tpu.contract_precision<fp32>, transpose_lhs_hint = false} : vector<100x100xf32>, vector<100x64xf32>, vector<100x64xf32> -> vector<100x64xf32>
      %slice3A_689 = vector.extract_strided_slice %div3A_322 {offsets = [200, 0], sizes = [100, 100], strides = [1, 1]} : vector<400x100xf32> to vector<100x100xf32>
      %slice3A_690 = vector.extract_strided_slice %dot_general3A_277 {offsets = [200, 0], sizes = [100, 64], strides = [1, 1]} : vector<400x64xf32> to vector<100x64xf32>
      %dot_general3A_691 = arith.constant dense<0.000000e+00> : vector<100x64xf32>
      %dot_general3A_692 = tpu.matmul %slice3A_689, %slice3A_690, %dot_general3A_691 {dimension_numbers = #tpu.dot_dimension_numbers<[1], [0], [0], [1], [0, 0, 1, 1], [], []>, precision = #tpu.contract_precision<fp32>, transpose_lhs_hint = false} : vector<100x100xf32>, vector<100x64xf32>, vector<100x64xf32> -> vector<100x64xf32>
      %slice3A_693 = vector.extract_strided_slice %div3A_322 {offsets = [300, 0], sizes = [100, 100], strides = [1, 1]} : vector<400x100xf32> to vector<100x100xf32>
      %slice3A_694 = vector.extract_strided_slice %dot_general3A_277 {offsets = [300, 0], sizes = [100, 64], strides = [1, 1]} : vector<400x64xf32> to vector<100x64xf32>
      %dot_general3A_695 = arith.constant dense<0.000000e+00> : vector<100x64xf32>
      %dot_general3A_696 = tpu.matmul %slice3A_693, %slice3A_694, %dot_general3A_695 {dimension_numbers = #tpu.dot_dimension_numbers<[1], [0], [0], [1], [0, 0, 1, 1], [], []>, precision = #tpu.contract_precision<fp32>, transpose_lhs_hint = false} : vector<100x100xf32>, vector<100x64xf32>, vector<100x64xf32> -> vector<100x64xf32>
      %concatenate3A_697 = tpu.concatenate %dot_general3A_684, %dot_general3A_688, %dot_general3A_692, %dot_general3A_696 in 0 : vector<100x64xf32>, vector<100x64xf32>, vector<100x64xf32>, vector<100x64xf32> -> vector<400x64xf32>
      %add3A_698 = vector.broadcast %get3A_10 : vector<1x64xf32> to vector<400x64xf32>
      %add3A_699 = arith.addf %concatenate3A_697, %add3A_698 : vector<400x64xf32>
      %swap3A_700 = arith.index_cast %mul3A_680 : i32 to index
      %swap3A_701 = arith.constant 0 : index
      %swap3A_702 = vector.load %arg16[%swap3A_700, %swap3A_701] : memref<12800x64xf32, #tpu.memory_space<vmem>>, vector<400x64xf32>
      tpu.vector_store %arg16[%swap3A_700, %swap3A_701], %add3A_699 {strides = array<i32>} : memref<12800x64xf32, #tpu.memory_space<vmem>>, vector<400x64xf32>,
      %reduce_sum3A_703 = arith.constant dense<0.000000e+00> : vector<64xf32>
      %reduce_sum3A_704 = vector.multi_reduction <add>, %add3A_699, %reduce_sum3A_703 [0] : vector<400x64xf32> to vector<64xf32>
      %broadcast_in_dim3A_705 = vector.shape_cast %reduce_sum3A_704 : vector<64xf32> to vector<1x64xf32>
      %add3A_706 = arith.addf %add3A_669, %broadcast_in_dim3A_705 : vector<1x64xf32>
      %mul3A_707 = arith.mulf %add3A_699, %add3A_699 : vector<400x64xf32>
      %reduce_sum3A_708 = arith.constant dense<0.000000e+00> : vector<64xf32>
      %reduce_sum3A_709 = vector.multi_reduction <add>, %mul3A_707, %reduce_sum3A_708 [0] : vector<400x64xf32> to vector<64xf32>
      %broadcast_in_dim3A_710 = vector.shape_cast %reduce_sum3A_709 : vector<64xf32> to vector<1x64xf32>
      %add3A_711 = arith.addf %add3A_674, %broadcast_in_dim3A_710 : vector<1x64xf32>
      %mul3A_712 = arith.constant 8 : i32
      %mul3A_713 = arith.muli %mul3A_712, %scan3A_158 : i32
      %add3A_714 = arith.constant 3 : i32
      %add3A_715 = arith.addi %mul3A_713, %add3A_714 : i32
      %mul3A_716 = arith.constant 400 : i32
      %mul3A_717 = arith.muli %add3A_715, %mul3A_716 : i32
      %slice3A_718 = vector.extract_strided_slice %div3A_378 {offsets = [0, 0], sizes = [100, 100], strides = [1, 1]} : vector<400x100xf32> to vector<100x100xf32>
      %slice3A_719 = vector.extract_strided_slice %dot_general3A_333 {offsets = [0, 0], sizes = [100, 64], strides = [1, 1]} : vector<400x64xf32> to vector<100x64xf32>
      %dot_general3A_720 = arith.constant dense<0.000000e+00> : vector<100x64xf32>
      %dot_general3A_721 = tpu.matmul %slice3A_718, %slice3A_719, %dot_general3A_720 {dimension_numbers = #tpu.dot_dimension_numbers<[1], [0], [0], [1], [0, 0, 1, 1], [], []>, precision = #tpu.contract_precision<fp32>, transpose_lhs_hint = false} : vector<100x100xf32>, vector<100x64xf32>, vector<100x64xf32> -> vector<100x64xf32>
      %slice3A_722 = vector.extract_strided_slice %div3A_378 {offsets = [100, 0], sizes = [100, 100], strides = [1, 1]} : vector<400x100xf32> to vector<100x100xf32>
      %slice3A_723 = vector.extract_strided_slice %dot_general3A_333 {offsets = [100, 0], sizes = [100, 64], strides = [1, 1]} : vector<400x64xf32> to vector<100x64xf32>
      %dot_general3A_724 = arith.constant dense<0.000000e+00> : vector<100x64xf32>
      %dot_general3A_725 = tpu.matmul %slice3A_722, %slice3A_723, %dot_general3A_724 {dimension_numbers = #tpu.dot_dimension_numbers<[1], [0], [0], [1], [0, 0, 1, 1], [], []>, precision = #tpu.contract_precision<fp32>, transpose_lhs_hint = false} : vector<100x100xf32>, vector<100x64xf32>, vector<100x64xf32> -> vector<100x64xf32>
      %slice3A_726 = vector.extract_strided_slice %div3A_378 {offsets = [200, 0], sizes = [100, 100], strides = [1, 1]} : vector<400x100xf32> to vector<100x100xf32>
      %slice3A_727 = vector.extract_strided_slice %dot_general3A_333 {offsets = [200, 0], sizes = [100, 64], strides = [1, 1]} : vector<400x64xf32> to vector<100x64xf32>
      %dot_general3A_728 = arith.constant dense<0.000000e+00> : vector<100x64xf32>
      %dot_general3A_729 = tpu.matmul %slice3A_726, %slice3A_727, %dot_general3A_728 {dimension_numbers = #tpu.dot_dimension_numbers<[1], [0], [0], [1], [0, 0, 1, 1], [], []>, precision = #tpu.contract_precision<fp32>, transpose_lhs_hint = false} : vector<100x100xf32>, vector<100x64xf32>, vector<100x64xf32> -> vector<100x64xf32>
      %slice3A_730 = vector.extract_strided_slice %div3A_378 {offsets = [300, 0], sizes = [100, 100], strides = [1, 1]} : vector<400x100xf32> to vector<100x100xf32>
      %slice3A_731 = vector.extract_strided_slice %dot_general3A_333 {offsets = [300, 0], sizes = [100, 64], strides = [1, 1]} : vector<400x64xf32> to vector<100x64xf32>
      %dot_general3A_732 = arith.constant dense<0.000000e+00> : vector<100x64xf32>
      %dot_general3A_733 = tpu.matmul %slice3A_730, %slice3A_731, %dot_general3A_732 {dimension_numbers = #tpu.dot_dimension_numbers<[1], [0], [0], [1], [0, 0, 1, 1], [], []>, precision = #tpu.contract_precision<fp32>, transpose_lhs_hint = false} : vector<100x100xf32>, vector<100x64xf32>, vector<100x64xf32> -> vector<100x64xf32>
      %concatenate3A_734 = tpu.concatenate %dot_general3A_721, %dot_general3A_725, %dot_general3A_729, %dot_general3A_733 in 0 : vector<100x64xf32>, vector<100x64xf32>, vector<100x64xf32>, vector<100x64xf32> -> vector<400x64xf32>
      %add3A_735 = vector.broadcast %get3A_10 : vector<1x64xf32> to vector<400x64xf32>
      %add3A_736 = arith.addf %concatenate3A_734, %add3A_735 : vector<400x64xf32>
      %swap3A_737 = arith.index_cast %mul3A_717 : i32 to index
      %swap3A_738 = arith.constant 0 : index
      %swap3A_739 = vector.load %arg16[%swap3A_737, %swap3A_738] : memref<12800x64xf32, #tpu.memory_space<vmem>>, vector<400x64xf32>
      tpu.vector_store %arg16[%swap3A_737, %swap3A_738], %add3A_736 {strides = array<i32>} : memref<12800x64xf32, #tpu.memory_space<vmem>>, vector<400x64xf32>,
      %reduce_sum3A_740 = arith.constant dense<0.000000e+00> : vector<64xf32>
      %reduce_sum3A_741 = vector.multi_reduction <add>, %add3A_736, %reduce_sum3A_740 [0] : vector<400x64xf32> to vector<64xf32>
      %broadcast_in_dim3A_742 = vector.shape_cast %reduce_sum3A_741 : vector<64xf32> to vector<1x64xf32>
      %add3A_743 = arith.addf %add3A_706, %broadcast_in_dim3A_742 : vector<1x64xf32>
      %mul3A_744 = arith.mulf %add3A_736, %add3A_736 : vector<400x64xf32>
      %reduce_sum3A_745 = arith.constant dense<0.000000e+00> : vector<64xf32>
      %reduce_sum3A_746 = vector.multi_reduction <add>, %mul3A_744, %reduce_sum3A_745 [0] : vector<400x64xf32> to vector<64xf32>
      %broadcast_in_dim3A_747 = vector.shape_cast %reduce_sum3A_746 : vector<64xf32> to vector<1x64xf32>
      %add3A_748 = arith.addf %add3A_711, %broadcast_in_dim3A_747 : vector<1x64xf32>
      %mul3A_749 = arith.constant 8 : i32
      %mul3A_750 = arith.muli %mul3A_749, %scan3A_158 : i32
      %add3A_751 = arith.constant 4 : i32
      %add3A_752 = arith.addi %mul3A_750, %add3A_751 : i32
      %mul3A_753 = arith.constant 400 : i32
      %mul3A_754 = arith.muli %add3A_752, %mul3A_753 : i32
      %slice3A_755 = vector.extract_strided_slice %div3A_434 {offsets = [0, 0], sizes = [100, 100], strides = [1, 1]} : vector<400x100xf32> to vector<100x100xf32>
      %slice3A_756 = vector.extract_strided_slice %dot_general3A_389 {offsets = [0, 0], sizes = [100, 64], strides = [1, 1]} : vector<400x64xf32> to vector<100x64xf32>
      %dot_general3A_757 = arith.constant dense<0.000000e+00> : vector<100x64xf32>
      %dot_general3A_758 = tpu.matmul %slice3A_755, %slice3A_756, %dot_general3A_757 {dimension_numbers = #tpu.dot_dimension_numbers<[1], [0], [0], [1], [0, 0, 1, 1], [], []>, precision = #tpu.contract_precision<fp32>, transpose_lhs_hint = false} : vector<100x100xf32>, vector<100x64xf32>, vector<100x64xf32> -> vector<100x64xf32>
      %slice3A_759 = vector.extract_strided_slice %div3A_434 {offsets = [100, 0], sizes = [100, 100], strides = [1, 1]} : vector<400x100xf32> to vector<100x100xf32>
      %slice3A_760 = vector.extract_strided_slice %dot_general3A_389 {offsets = [100, 0], sizes = [100, 64], strides = [1, 1]} : vector<400x64xf32> to vector<100x64xf32>
      %dot_general3A_761 = arith.constant dense<0.000000e+00> : vector<100x64xf32>
      %dot_general3A_762 = tpu.matmul %slice3A_759, %slice3A_760, %dot_general3A_761 {dimension_numbers = #tpu.dot_dimension_numbers<[1], [0], [0], [1], [0, 0, 1, 1], [], []>, precision = #tpu.contract_precision<fp32>, transpose_lhs_hint = false} : vector<100x100xf32>, vector<100x64xf32>, vector<100x64xf32> -> vector<100x64xf32>
      %slice3A_763 = vector.extract_strided_slice %div3A_434 {offsets = [200, 0], sizes = [100, 100], strides = [1, 1]} : vector<400x100xf32> to vector<100x100xf32>
      %slice3A_764 = vector.extract_strided_slice %dot_general3A_389 {offsets = [200, 0], sizes = [100, 64], strides = [1, 1]} : vector<400x64xf32> to vector<100x64xf32>
      %dot_general3A_765 = arith.constant dense<0.000000e+00> : vector<100x64xf32>
      %dot_general3A_766 = tpu.matmul %slice3A_763, %slice3A_764, %dot_general3A_765 {dimension_numbers = #tpu.dot_dimension_numbers<[1], [0], [0], [1], [0, 0, 1, 1], [], []>, precision = #tpu.contract_precision<fp32>, transpose_lhs_hint = false} : vector<100x100xf32>, vector<100x64xf32>, vector<100x64xf32> -> vector<100x64xf32>
      %slice3A_767 = vector.extract_strided_slice %div3A_434 {offsets = [300, 0], sizes = [100, 100], strides = [1, 1]} : vector<400x100xf32> to vector<100x100xf32>
      %slice3A_768 = vector.extract_strided_slice %dot_general3A_389 {offsets = [300, 0], sizes = [100, 64], strides = [1, 1]} : vector<400x64xf32> to vector<100x64xf32>
      %dot_general3A_769 = arith.constant dense<0.000000e+00> : vector<100x64xf32>
      %dot_general3A_770 = tpu.matmul %slice3A_767, %slice3A_768, %dot_general3A_769 {dimension_numbers = #tpu.dot_dimension_numbers<[1], [0], [0], [1], [0, 0, 1, 1], [], []>, precision = #tpu.contract_precision<fp32>, transpose_lhs_hint = false} : vector<100x100xf32>, vector<100x64xf32>, vector<100x64xf32> -> vector<100x64xf32>
      %concatenate3A_771 = tpu.concatenate %dot_general3A_758, %dot_general3A_762, %dot_general3A_766, %dot_general3A_770 in 0 : vector<100x64xf32>, vector<100x64xf32>, vector<100x64xf32>, vector<100x64xf32> -> vector<400x64xf32>
      %add3A_772 = vector.broadcast %get3A_10 : vector<1x64xf32> to vector<400x64xf32>
      %add3A_773 = arith.addf %concatenate3A_771, %add3A_772 : vector<400x64xf32>
      %swap3A_774 = arith.index_cast %mul3A_754 : i32 to index
      %swap3A_775 = arith.constant 0 : index
      %swap3A_776 = vector.load %arg16[%swap3A_774, %swap3A_775] : memref<12800x64xf32, #tpu.memory_space<vmem>>, vector<400x64xf32>
      tpu.vector_store %arg16[%swap3A_774, %swap3A_775], %add3A_773 {strides = array<i32>} : memref<12800x64xf32, #tpu.memory_space<vmem>>, vector<400x64xf32>,
      %reduce_sum3A_777 = arith.constant dense<0.000000e+00> : vector<64xf32>
      %reduce_sum3A_778 = vector.multi_reduction <add>, %add3A_773, %reduce_sum3A_777 [0] : vector<400x64xf32> to vector<64xf32>
      %broadcast_in_dim3A_779 = vector.shape_cast %reduce_sum3A_778 : vector<64xf32> to vector<1x64xf32>
      %add3A_780 = arith.addf %add3A_743, %broadcast_in_dim3A_779 : vector<1x64xf32>
      %mul3A_781 = arith.mulf %add3A_773, %add3A_773 : vector<400x64xf32>
      %reduce_sum3A_782 = arith.constant dense<0.000000e+00> : vector<64xf32>
      %reduce_sum3A_783 = vector.multi_reduction <add>, %mul3A_781, %reduce_sum3A_782 [0] : vector<400x64xf32> to vector<64xf32>
      %broadcast_in_dim3A_784 = vector.shape_cast %reduce_sum3A_783 : vector<64xf32> to vector<1x64xf32>
      %add3A_785 = arith.addf %add3A_748, %broadcast_in_dim3A_784 : vector<1x64xf32>
      %mul3A_786 = arith.constant 8 : i32
      %mul3A_787 = arith.muli %mul3A_786, %scan3A_158 : i32
      %add3A_788 = arith.constant 5 : i32
      %add3A_789 = arith.addi %mul3A_787, %add3A_788 : i32
      %mul3A_790 = arith.constant 400 : i32
      %mul3A_791 = arith.muli %add3A_789, %mul3A_790 : i32
      %slice3A_792 = vector.extract_strided_slice %div3A_490 {offsets = [0, 0], sizes = [100, 100], strides = [1, 1]} : vector<400x100xf32> to vector<100x100xf32>
      %slice3A_793 = vector.extract_strided_slice %dot_general3A_445 {offsets = [0, 0], sizes = [100, 64], strides = [1, 1]} : vector<400x64xf32> to vector<100x64xf32>
      %dot_general3A_794 = arith.constant dense<0.000000e+00> : vector<100x64xf32>
      %dot_general3A_795 = tpu.matmul %slice3A_792, %slice3A_793, %dot_general3A_794 {dimension_numbers = #tpu.dot_dimension_numbers<[1], [0], [0], [1], [0, 0, 1, 1], [], []>, precision = #tpu.contract_precision<fp32>, transpose_lhs_hint = false} : vector<100x100xf32>, vector<100x64xf32>, vector<100x64xf32> -> vector<100x64xf32>
      %slice3A_796 = vector.extract_strided_slice %div3A_490 {offsets = [100, 0], sizes = [100, 100], strides = [1, 1]} : vector<400x100xf32> to vector<100x100xf32>
      %slice3A_797 = vector.extract_strided_slice %dot_general3A_445 {offsets = [100, 0], sizes = [100, 64], strides = [1, 1]} : vector<400x64xf32> to vector<100x64xf32>
      %dot_general3A_798 = arith.constant dense<0.000000e+00> : vector<100x64xf32>
      %dot_general3A_799 = tpu.matmul %slice3A_796, %slice3A_797, %dot_general3A_798 {dimension_numbers = #tpu.dot_dimension_numbers<[1], [0], [0], [1], [0, 0, 1, 1], [], []>, precision = #tpu.contract_precision<fp32>, transpose_lhs_hint = false} : vector<100x100xf32>, vector<100x64xf32>, vector<100x64xf32> -> vector<100x64xf32>
      %slice3A_800 = vector.extract_strided_slice %div3A_490 {offsets = [200, 0], sizes = [100, 100], strides = [1, 1]} : vector<400x100xf32> to vector<100x100xf32>
      %slice3A_801 = vector.extract_strided_slice %dot_general3A_445 {offsets = [200, 0], sizes = [100, 64], strides = [1, 1]} : vector<400x64xf32> to vector<100x64xf32>
      %dot_general3A_802 = arith.constant dense<0.000000e+00> : vector<100x64xf32>
      %dot_general3A_803 = tpu.matmul %slice3A_800, %slice3A_801, %dot_general3A_802 {dimension_numbers = #tpu.dot_dimension_numbers<[1], [0], [0], [1], [0, 0, 1, 1], [], []>, precision = #tpu.contract_precision<fp32>, transpose_lhs_hint = false} : vector<100x100xf32>, vector<100x64xf32>, vector<100x64xf32> -> vector<100x64xf32>
      %slice3A_804 = vector.extract_strided_slice %div3A_490 {offsets = [300, 0], sizes = [100, 100], strides = [1, 1]} : vector<400x100xf32> to vector<100x100xf32>
      %slice3A_805 = vector.extract_strided_slice %dot_general3A_445 {offsets = [300, 0], sizes = [100, 64], strides = [1, 1]} : vector<400x64xf32> to vector<100x64xf32>
      %dot_general3A_806 = arith.constant dense<0.000000e+00> : vector<100x64xf32>
      %dot_general3A_807 = tpu.matmul %slice3A_804, %slice3A_805, %dot_general3A_806 {dimension_numbers = #tpu.dot_dimension_numbers<[1], [0], [0], [1], [0, 0, 1, 1], [], []>, precision = #tpu.contract_precision<fp32>, transpose_lhs_hint = false} : vector<100x100xf32>, vector<100x64xf32>, vector<100x64xf32> -> vector<100x64xf32>
      %concatenate3A_808 = tpu.concatenate %dot_general3A_795, %dot_general3A_799, %dot_general3A_803, %dot_general3A_807 in 0 : vector<100x64xf32>, vector<100x64xf32>, vector<100x64xf32>, vector<100x64xf32> -> vector<400x64xf32>
      %add3A_809 = vector.broadcast %get3A_10 : vector<1x64xf32> to vector<400x64xf32>
      %add3A_810 = arith.addf %concatenate3A_808, %add3A_809 : vector<400x64xf32>
      %swap3A_811 = arith.index_cast %mul3A_791 : i32 to index
      %swap3A_812 = arith.constant 0 : index
      %swap3A_813 = vector.load %arg16[%swap3A_811, %swap3A_812] : memref<12800x64xf32, #tpu.memory_space<vmem>>, vector<400x64xf32>
      tpu.vector_store %arg16[%swap3A_811, %swap3A_812], %add3A_810 {strides = array<i32>} : memref<12800x64xf32, #tpu.memory_space<vmem>>, vector<400x64xf32>,
      %reduce_sum3A_814 = arith.constant dense<0.000000e+00> : vector<64xf32>
      %reduce_sum3A_815 = vector.multi_reduction <add>, %add3A_810, %reduce_sum3A_814 [0] : vector<400x64xf32> to vector<64xf32>
      %broadcast_in_dim3A_816 = vector.shape_cast %reduce_sum3A_815 : vector<64xf32> to vector<1x64xf32>
      %add3A_817 = arith.addf %add3A_780, %broadcast_in_dim3A_816 : vector<1x64xf32>
      %mul3A_818 = arith.mulf %add3A_810, %add3A_810 : vector<400x64xf32>
      %reduce_sum3A_819 = arith.constant dense<0.000000e+00> : vector<64xf32>
      %reduce_sum3A_820 = vector.multi_reduction <add>, %mul3A_818, %reduce_sum3A_819 [0] : vector<400x64xf32> to vector<64xf32>
      %broadcast_in_dim3A_821 = vector.shape_cast %reduce_sum3A_820 : vector<64xf32> to vector<1x64xf32>
      %add3A_822 = arith.addf %add3A_785, %broadcast_in_dim3A_821 : vector<1x64xf32>
      %mul3A_823 = arith.constant 8 : i32
      %mul3A_824 = arith.muli %mul3A_823, %scan3A_158 : i32
      %add3A_825 = arith.constant 6 : i32
      %add3A_826 = arith.addi %mul3A_824, %add3A_825 : i32
      %mul3A_827 = arith.constant 400 : i32
      %mul3A_828 = arith.muli %add3A_826, %mul3A_827 : i32
      %slice3A_829 = vector.extract_strided_slice %div3A_546 {offsets = [0, 0], sizes = [100, 100], strides = [1, 1]} : vector<400x100xf32> to vector<100x100xf32>
      %slice3A_830 = vector.extract_strided_slice %dot_general3A_501 {offsets = [0, 0], sizes = [100, 64], strides = [1, 1]} : vector<400x64xf32> to vector<100x64xf32>
      %dot_general3A_831 = arith.constant dense<0.000000e+00> : vector<100x64xf32>
      %dot_general3A_832 = tpu.matmul %slice3A_829, %slice3A_830, %dot_general3A_831 {dimension_numbers = #tpu.dot_dimension_numbers<[1], [0], [0], [1], [0, 0, 1, 1], [], []>, precision = #tpu.contract_precision<fp32>, transpose_lhs_hint = false} : vector<100x100xf32>, vector<100x64xf32>, vector<100x64xf32> -> vector<100x64xf32>
      %slice3A_833 = vector.extract_strided_slice %div3A_546 {offsets = [100, 0], sizes = [100, 100], strides = [1, 1]} : vector<400x100xf32> to vector<100x100xf32>
      %slice3A_834 = vector.extract_strided_slice %dot_general3A_501 {offsets = [100, 0], sizes = [100, 64], strides = [1, 1]} : vector<400x64xf32> to vector<100x64xf32>
      %dot_general3A_835 = arith.constant dense<0.000000e+00> : vector<100x64xf32>
      %dot_general3A_836 = tpu.matmul %slice3A_833, %slice3A_834, %dot_general3A_835 {dimension_numbers = #tpu.dot_dimension_numbers<[1], [0], [0], [1], [0, 0, 1, 1], [], []>, precision = #tpu.contract_precision<fp32>, transpose_lhs_hint = false} : vector<100x100xf32>, vector<100x64xf32>, vector<100x64xf32> -> vector<100x64xf32>
      %slice3A_837 = vector.extract_strided_slice %div3A_546 {offsets = [200, 0], sizes = [100, 100], strides = [1, 1]} : vector<400x100xf32> to vector<100x100xf32>
      %slice3A_838 = vector.extract_strided_slice %dot_general3A_501 {offsets = [200, 0], sizes = [100, 64], strides = [1, 1]} : vector<400x64xf32> to vector<100x64xf32>
      %dot_general3A_839 = arith.constant dense<0.000000e+00> : vector<100x64xf32>
      %dot_general3A_840 = tpu.matmul %slice3A_837, %slice3A_838, %dot_general3A_839 {dimension_numbers = #tpu.dot_dimension_numbers<[1], [0], [0], [1], [0, 0, 1, 1], [], []>, precision = #tpu.contract_precision<fp32>, transpose_lhs_hint = false} : vector<100x100xf32>, vector<100x64xf32>, vector<100x64xf32> -> vector<100x64xf32>
      %slice3A_841 = vector.extract_strided_slice %div3A_546 {offsets = [300, 0], sizes = [100, 100], strides = [1, 1]} : vector<400x100xf32> to vector<100x100xf32>
      %slice3A_842 = vector.extract_strided_slice %dot_general3A_501 {offsets = [300, 0], sizes = [100, 64], strides = [1, 1]} : vector<400x64xf32> to vector<100x64xf32>
      %dot_general3A_843 = arith.constant dense<0.000000e+00> : vector<100x64xf32>
      %dot_general3A_844 = tpu.matmul %slice3A_841, %slice3A_842, %dot_general3A_843 {dimension_numbers = #tpu.dot_dimension_numbers<[1], [0], [0], [1], [0, 0, 1, 1], [], []>, precision = #tpu.contract_precision<fp32>, transpose_lhs_hint = false} : vector<100x100xf32>, vector<100x64xf32>, vector<100x64xf32> -> vector<100x64xf32>
      %concatenate3A_845 = tpu.concatenate %dot_general3A_832, %dot_general3A_836, %dot_general3A_840, %dot_general3A_844 in 0 : vector<100x64xf32>, vector<100x64xf32>, vector<100x64xf32>, vector<100x64xf32> -> vector<400x64xf32>
      %add3A_846 = vector.broadcast %get3A_10 : vector<1x64xf32> to vector<400x64xf32>
      %add3A_847 = arith.addf %concatenate3A_845, %add3A_846 : vector<400x64xf32>
      %swap3A_848 = arith.index_cast %mul3A_828 : i32 to index
      %swap3A_849 = arith.constant 0 : index
      %swap3A_850 = vector.load %arg16[%swap3A_848, %swap3A_849] : memref<12800x64xf32, #tpu.memory_space<vmem>>, vector<400x64xf32>
      tpu.vector_store %arg16[%swap3A_848, %swap3A_849], %add3A_847 {strides = array<i32>} : memref<12800x64xf32, #tpu.memory_space<vmem>>, vector<400x64xf32>,
      %reduce_sum3A_851 = arith.constant dense<0.000000e+00> : vector<64xf32>
      %reduce_sum3A_852 = vector.multi_reduction <add>, %add3A_847, %reduce_sum3A_851 [0] : vector<400x64xf32> to vector<64xf32>
      %broadcast_in_dim3A_853 = vector.shape_cast %reduce_sum3A_852 : vector<64xf32> to vector<1x64xf32>
      %add3A_854 = arith.addf %add3A_817, %broadcast_in_dim3A_853 : vector<1x64xf32>
      %mul3A_855 = arith.mulf %add3A_847, %add3A_847 : vector<400x64xf32>
      %reduce_sum3A_856 = arith.constant dense<0.000000e+00> : vector<64xf32>
      %reduce_sum3A_857 = vector.multi_reduction <add>, %mul3A_855, %reduce_sum3A_856 [0] : vector<400x64xf32> to vector<64xf32>
      %broadcast_in_dim3A_858 = vector.shape_cast %reduce_sum3A_857 : vector<64xf32> to vector<1x64xf32>
      %add3A_859 = arith.addf %add3A_822, %broadcast_in_dim3A_858 : vector<1x64xf32>
      %mul3A_860 = arith.constant 8 : i32
      %mul3A_861 = arith.muli %mul3A_860, %scan3A_158 : i32
      %add3A_862 = arith.constant 7 : i32
      %add3A_863 = arith.addi %mul3A_861, %add3A_862 : i32
      %mul3A_864 = arith.constant 400 : i32
      %mul3A_865 = arith.muli %add3A_863, %mul3A_864 : i32
      %slice3A_866 = vector.extract_strided_slice %div3A_602 {offsets = [0, 0], sizes = [100, 100], strides = [1, 1]} : vector<400x100xf32> to vector<100x100xf32>
      %slice3A_867 = vector.extract_strided_slice %dot_general3A_557 {offsets = [0, 0], sizes = [100, 64], strides = [1, 1]} : vector<400x64xf32> to vector<100x64xf32>
      %dot_general3A_868 = arith.constant dense<0.000000e+00> : vector<100x64xf32>
      %dot_general3A_869 = tpu.matmul %slice3A_866, %slice3A_867, %dot_general3A_868 {dimension_numbers = #tpu.dot_dimension_numbers<[1], [0], [0], [1], [0, 0, 1, 1], [], []>, precision = #tpu.contract_precision<fp32>, transpose_lhs_hint = false} : vector<100x100xf32>, vector<100x64xf32>, vector<100x64xf32> -> vector<100x64xf32>
      %slice3A_870 = vector.extract_strided_slice %div3A_602 {offsets = [100, 0], sizes = [100, 100], strides = [1, 1]} : vector<400x100xf32> to vector<100x100xf32>
      %slice3A_871 = vector.extract_strided_slice %dot_general3A_557 {offsets = [100, 0], sizes = [100, 64], strides = [1, 1]} : vector<400x64xf32> to vector<100x64xf32>
      %dot_general3A_872 = arith.constant dense<0.000000e+00> : vector<100x64xf32>
      %dot_general3A_873 = tpu.matmul %slice3A_870, %slice3A_871, %dot_general3A_872 {dimension_numbers = #tpu.dot_dimension_numbers<[1], [0], [0], [1], [0, 0, 1, 1], [], []>, precision = #tpu.contract_precision<fp32>, transpose_lhs_hint = false} : vector<100x100xf32>, vector<100x64xf32>, vector<100x64xf32> -> vector<100x64xf32>
      %slice3A_874 = vector.extract_strided_slice %div3A_602 {offsets = [200, 0], sizes = [100, 100], strides = [1, 1]} : vector<400x100xf32> to vector<100x100xf32>
      %slice3A_875 = vector.extract_strided_slice %dot_general3A_557 {offsets = [200, 0], sizes = [100, 64], strides = [1, 1]} : vector<400x64xf32> to vector<100x64xf32>
      %dot_general3A_876 = arith.constant dense<0.000000e+00> : vector<100x64xf32>
      %dot_general3A_877 = tpu.matmul %slice3A_874, %slice3A_875, %dot_general3A_876 {dimension_numbers = #tpu.dot_dimension_numbers<[1], [0], [0], [1], [0, 0, 1, 1], [], []>, precision = #tpu.contract_precision<fp32>, transpose_lhs_hint = false} : vector<100x100xf32>, vector<100x64xf32>, vector<100x64xf32> -> vector<100x64xf32>
      %slice3A_878 = vector.extract_strided_slice %div3A_602 {offsets = [300, 0], sizes = [100, 100], strides = [1, 1]} : vector<400x100xf32> to vector<100x100xf32>
      %slice3A_879 = vector.extract_strided_slice %dot_general3A_557 {offsets = [300, 0], sizes = [100, 64], strides = [1, 1]} : vector<400x64xf32> to vector<100x64xf32>
      %dot_general3A_880 = arith.constant dense<0.000000e+00> : vector<100x64xf32>
      %dot_general3A_881 = tpu.matmul %slice3A_878, %slice3A_879, %dot_general3A_880 {dimension_numbers = #tpu.dot_dimension_numbers<[1], [0], [0], [1], [0, 0, 1, 1], [], []>, precision = #tpu.contract_precision<fp32>, transpose_lhs_hint = false} : vector<100x100xf32>, vector<100x64xf32>, vector<100x64xf32> -> vector<100x64xf32>
      %concatenate3A_882 = tpu.concatenate %dot_general3A_869, %dot_general3A_873, %dot_general3A_877, %dot_general3A_881 in 0 : vector<100x64xf32>, vector<100x64xf32>, vector<100x64xf32>, vector<100x64xf32> -> vector<400x64xf32>
      %add3A_883 = vector.broadcast %get3A_10 : vector<1x64xf32> to vector<400x64xf32>
      %add3A_884 = arith.addf %concatenate3A_882, %add3A_883 : vector<400x64xf32>
      %swap3A_885 = arith.index_cast %mul3A_865 : i32 to index
      %swap3A_886 = arith.constant 0 : index
      %swap3A_887 = vector.load %arg16[%swap3A_885, %swap3A_886] : memref<12800x64xf32, #tpu.memory_space<vmem>>, vector<400x64xf32>
      tpu.vector_store %arg16[%swap3A_885, %swap3A_886], %add3A_884 {strides = array<i32>} : memref<12800x64xf32, #tpu.memory_space<vmem>>, vector<400x64xf32>,
      %reduce_sum3A_888 = arith.constant dense<0.000000e+00> : vector<64xf32>
      %reduce_sum3A_889 = vector.multi_reduction <add>, %add3A_884, %reduce_sum3A_888 [0] : vector<400x64xf32> to vector<64xf32>
      %broadcast_in_dim3A_890 = vector.shape_cast %reduce_sum3A_889 : vector<64xf32> to vector<1x64xf32>
      %add3A_891 = arith.addf %add3A_854, %broadcast_in_dim3A_890 : vector<1x64xf32>
      %mul3A_892 = arith.mulf %add3A_884, %add3A_884 : vector<400x64xf32>
      %reduce_sum3A_893 = arith.constant dense<0.000000e+00> : vector<64xf32>
      %reduce_sum3A_894 = vector.multi_reduction <add>, %mul3A_892, %reduce_sum3A_893 [0] : vector<400x64xf32> to vector<64xf32>
      %broadcast_in_dim3A_895 = vector.shape_cast %reduce_sum3A_894 : vector<64xf32> to vector<1x64xf32>
      %add3A_896 = arith.addf %add3A_859, %broadcast_in_dim3A_895 : vector<1x64xf32>
      scf.yield %add3A_891, %add3A_896 : vector<1x64xf32>, vector<1x64xf32>
    }
    %scan3A_105 = arith.constant 4 : i32
    %div3A_106 = arith.constant 1.280000e+04 : f32
    %div3A_107 = vector.broadcast %div3A_106 : f32 to vector<1x64xf32>
    %div3A_108 = arith.divf %scan3A_104#0, %div3A_107 : vector<1x64xf32>
    %div3A_109 = arith.constant 1.280000e+04 : f32
    %div3A_110 = vector.broadcast %div3A_109 : f32 to vector<1x64xf32>
    %div3A_111 = arith.divf %scan3A_104#1, %div3A_110 : vector<1x64xf32>
    %mul3A = arith.mulf %div3A_108, %div3A_108 : vector<1x64xf32>
    %sub3A_112 = arith.subf %div3A_111, %mul3A : vector<1x64xf32>
    %add3A = arith.constant 9.99999974E-6 : f32
    %add3A_113 = vector.broadcast %add3A : f32 to vector<1x64xf32>
    %add3A_114 = arith.addf %sub3A_112, %add3A_113 : vector<1x64xf32>
    %rsqrt3A = math.rsqrt %add3A_114 : vector<1x64xf32>
    %get3A_115 = arith.constant 0 : index
    %get3A_116 = arith.constant 0 : index
    %get3A_117 = vector.load %arg9[%get3A_115, %get3A_116] : memref<1x64xf32, #tpu.memory_space<vmem>>, vector<1x64xf32>
    %mul3A_118 = arith.mulf %rsqrt3A, %get3A_117 : vector<1x64xf32>
    %get3A_119 = arith.constant 0 : index
    %get3A_120 = arith.constant 0 : index
    %get3A_121 = vector.load %arg10[%get3A_119, %get3A_120] : memref<1x64xf32, #tpu.memory_space<vmem>>, vector<1x64xf32>
    %scan3A_122 = arith.constant 0 : i32
    %scan3A_123 = arith.constant 8 : i32
    %scan3A_124 = arith.addi %scan3A_122, %scan3A_123 : i32
    %scan3A_125 = arith.constant 1 : i32
    %scan3A_126:2 = scf.for %scan3A_158 = %scan3A_122 to %scan3A_124 step %scan3A_125 iter_args(%scan3A_159 = %broadcast_in_dim3A_100, %scan3A_160 = %broadcast_in_dim3A_100) -> (vector<1x64xf32>, vector<1x64xf32>)  : i32 {
      %mul3A_161 = arith.constant 1600 : i32
      %mul3A_162 = arith.muli %scan3A_158, %mul3A_161 : i32
      %get3A_163 = arith.index_cast %mul3A_162 : i32 to index
      %get3A_164 = arith.constant 0 : index
      %get3A_165 = vector.load %arg16[%get3A_163, %get3A_164] : memref<12800x64xf32, #tpu.memory_space<vmem>>, vector<1600x64xf32>
      %sub3A_166 = vector.broadcast %div3A_108 : vector<1x64xf32> to vector<1600x64xf32>
      %sub3A_167 = arith.subf %get3A_165, %sub3A_166 : vector<1600x64xf32>
      %mul3A_168 = vector.broadcast %mul3A_118 : vector<1x64xf32> to vector<1600x64xf32>
      %mul3A_169 = arith.mulf %sub3A_167, %mul3A_168 : vector<1600x64xf32>
      %add3A_170 = vector.broadcast %get3A_121 : vector<1x64xf32> to vector<1600x64xf32>
      %add3A_171 = arith.addf %mul3A_169, %add3A_170 : vector<1600x64xf32>
      %max3A = arith.constant 0.000000e+00 : f32
      %max3A_172 = vector.broadcast %max3A : f32 to vector<1600x64xf32>
      %max3A_173 = arith.maximumf %add3A_171, %max3A_172 : vector<1600x64xf32>
      %mul3A_174 = arith.mulf %max3A_173, %dot_general3A_83 : vector<1600x64xf32>
      %swap3A = arith.index_cast %mul3A_162 : i32 to index
      %swap3A_175 = arith.constant 0 : index
      %swap3A_176 = vector.load %arg16[%swap3A, %swap3A_175] : memref<12800x64xf32, #tpu.memory_space<vmem>>, vector<1600x64xf32>
      tpu.vector_store %arg16[%swap3A, %swap3A_175], %mul3A_174 {strides = array<i32>} : memref<12800x64xf32, #tpu.memory_space<vmem>>, vector<1600x64xf32>,
      %reduce_sum3A = arith.constant dense<0.000000e+00> : vector<64xf32>
      %reduce_sum3A_177 = vector.multi_reduction <add>, %mul3A_174, %reduce_sum3A [0] : vector<1600x64xf32> to vector<64xf32>
      %broadcast_in_dim3A_178 = vector.shape_cast %reduce_sum3A_177 : vector<64xf32> to vector<1x64xf32>
      %add3A_179 = arith.addf %scan3A_159, %broadcast_in_dim3A_178 : vector<1x64xf32>
      %mul3A_180 = arith.mulf %mul3A_174, %mul3A_174 : vector<1600x64xf32>
      %reduce_sum3A_181 = arith.constant dense<0.000000e+00> : vector<64xf32>
      %reduce_sum3A_182 = vector.multi_reduction <add>, %mul3A_180, %reduce_sum3A_181 [0] : vector<1600x64xf32> to vector<64xf32>
      %broadcast_in_dim3A_183 = vector.shape_cast %reduce_sum3A_182 : vector<64xf32> to vector<1x64xf32>
      %add3A_184 = arith.addf %scan3A_160, %broadcast_in_dim3A_183 : vector<1x64xf32>
      scf.yield %add3A_179, %add3A_184 : vector<1x64xf32>, vector<1x64xf32>
    }
    %scan3A_127 = arith.constant 8 : i32
    %div3A_128 = arith.constant 1.280000e+04 : f32
    %div3A_129 = vector.broadcast %div3A_128 : f32 to vector<1x64xf32>
    %div3A_130 = arith.divf %scan3A_126#0, %div3A_129 : vector<1x64xf32>
    %div3A_131 = arith.constant 1.280000e+04 : f32
    %div3A_132 = vector.broadcast %div3A_131 : f32 to vector<1x64xf32>
    %div3A_133 = arith.divf %scan3A_126#1, %div3A_132 : vector<1x64xf32>
    %mul3A_134 = arith.mulf %div3A_130, %div3A_130 : vector<1x64xf32>
    %sub3A_135 = arith.subf %div3A_133, %mul3A_134 : vector<1x64xf32>
    %add3A_136 = arith.constant 9.99999974E-6 : f32
    %add3A_137 = vector.broadcast %add3A_136 : f32 to vector<1x64xf32>
    %add3A_138 = arith.addf %sub3A_135, %add3A_137 : vector<1x64xf32>
    %rsqrt3A_139 = math.rsqrt %add3A_138 : vector<1x64xf32>
    %get3A_140 = arith.constant 0 : index
    %get3A_141 = arith.constant 0 : index
    %get3A_142 = vector.load %arg11[%get3A_140, %get3A_141] : memref<1x64xf32, #tpu.memory_space<vmem>>, vector<1x64xf32>
    %mul3A_143 = arith.mulf %rsqrt3A_139, %get3A_142 : vector<1x64xf32>
    %get3A_144 = arith.constant 0 : index
    %get3A_145 = arith.constant 0 : index
    %get3A_146 = vector.load %arg12[%get3A_144, %get3A_145] : memref<1x64xf32, #tpu.memory_space<vmem>>, vector<1x64xf32>
    %get3A_147 = arith.constant 0 : index
    %get3A_148 = arith.constant 0 : index
    %get3A_149 = vector.load %arg13[%get3A_147, %get3A_148] : memref<1x64xf32, #tpu.memory_space<vmem>>, vector<1x64xf32>
    %get3A_150 = arith.constant 0 : index
    %get3A_151 = arith.constant 0 : index
    %get3A_152 = vector.load %arg14[%get3A_150, %get3A_151] : memref<1x100xf32, #tpu.memory_space<vmem>>, vector<1x100xf32>
    %scan3A_153 = arith.constant 0 : i32
    %scan3A_154 = arith.constant 8 : i32
    %scan3A_155 = arith.addi %scan3A_153, %scan3A_154 : i32
    %scan3A_156 = arith.constant 1 : i32
    scf.for %scan3A_158 = %scan3A_153 to %scan3A_155 step %scan3A_156  : i32 {
      %mul3A_159 = arith.constant 1600 : i32
      %mul3A_160 = arith.muli %scan3A_158, %mul3A_159 : i32
      %get3A_161 = arith.index_cast %mul3A_160 : i32 to index
      %get3A_162 = arith.constant 0 : index
      %get3A_163 = vector.load %arg16[%get3A_161, %get3A_162] : memref<12800x64xf32, #tpu.memory_space<vmem>>, vector<1600x64xf32>
      %sub3A_164 = vector.broadcast %div3A_130 : vector<1x64xf32> to vector<1600x64xf32>
      %sub3A_165 = arith.subf %get3A_163, %sub3A_164 : vector<1600x64xf32>
      %mul3A_166 = vector.broadcast %mul3A_143 : vector<1x64xf32> to vector<1600x64xf32>
      %mul3A_167 = arith.mulf %sub3A_165, %mul3A_166 : vector<1600x64xf32>
      %add3A_168 = vector.broadcast %get3A_146 : vector<1x64xf32> to vector<1600x64xf32>
      %add3A_169 = arith.addf %mul3A_167, %add3A_168 : vector<1600x64xf32>
      %max3A = arith.constant 0.000000e+00 : f32
      %max3A_170 = vector.broadcast %max3A : f32 to vector<1600x64xf32>
      %max3A_171 = arith.maximumf %add3A_169, %max3A_170 : vector<1600x64xf32>
      %dot_general3A_172 = arith.constant dense<0.000000e+00> : vector<1600x1xf32>
      %dot_general3A_173 = tpu.matmul %max3A_171, %get3A_149, %dot_general3A_172 {dimension_numbers = #tpu.dot_dimension_numbers<[1], [1], [0], [0], [0, 0, 1, 0], [], []>, precision = #tpu.contract_precision<fp32>, transpose_lhs_hint = false} : vector<1600x64xf32>, vector<1x64xf32>, vector<1600x1xf32> -> vector<1600x1xf32>
      %mul3A_174 = vector.broadcast %dot_general3A_173 : vector<1600x1xf32> to vector<1600x100xf32>
      %mul3A_175 = arith.mulf %mul3A_174, %convert_element_type3A_14 : vector<1600x100xf32>
      %dot_general3A_176 = arith.constant dense<0.000000e+00> : vector<16x100xf32>
      %dot_general3A_177 = tpu.matmul %convert_element_type3A_79, %mul3A_175, %dot_general3A_176 {dimension_numbers = #tpu.dot_dimension_numbers<[1], [0], [0], [1], [0, 0, 1, 1], [], []>, precision = #tpu.contract_precision<fp32>, transpose_lhs_hint = false} : vector<16x1600xf32>, vector<1600x100xf32>, vector<16x100xf32> -> vector<16x100xf32>
      %add3A_178 = vector.broadcast %get3A_152 : vector<1x100xf32> to vector<16x100xf32>
      %add3A_179 = arith.addf %dot_general3A_177, %add3A_178 : vector<16x100xf32>
      %mul3A_180 = arith.constant 16 : i32
      %mul3A_181 = arith.muli %scan3A_158, %mul3A_180 : i32
      %swap3A = arith.index_cast %mul3A_181 : i32 to index
      %swap3A_182 = arith.constant 0 : index
      %swap3A_183 = vector.load %arg15[%swap3A, %swap3A_182] : memref<128x100xf32, #tpu.memory_space<vmem>>, vector<16x100xf32>
      tpu.vector_store %arg15[%swap3A, %swap3A_182], %add3A_179 {strides = array<i32>} : memref<128x100xf32, #tpu.memory_space<vmem>>, vector<16x100xf32>,
    }
    %scan3A_157 = arith.constant 8 : i32
    return
  }
}

</mosaic_0001>

<sc_bundles>
// kernel: kernel.4.cloned.1.call-start
scs
__scs_entry_jumppad:
0x0: {  	(pc) =	sbr.rel $0x88, $3  }
0x1: {  	(tag) =	ssettag $0x0;
	lr =	simm.s32 $0x1  }
0x2: {  	[smem:$0x3F92] =	sst lr;
	_ =	strace $0xD0000000  }
0x3: {  	_ = 	snop  }
0x4: {  	_ = 	snop  }
0x5: {  	_ = 	snop  }
0x6: {  	_ = 	snop  }
0x7: {  	_ = 	snop  }
__scs_overlays_trampoline_lowered:
0x8: {  	[smem:$0x3FA1] =	sst s0  }
0x9: {  	[smem:$0x3FA2] =	sst s1  }
0xa: {  	[smem:$0x3FA3] =	sst s2  }
0xb: {  	[smem:$0x3FA4] =	sst s3  }
0xc: {  	[smem:$0x3FA5] =	sst s4  }
0xd: {  	[smem:$0x3FA6] =	sst s5  }
0xe: {  	[smem:$0x3FA7] =	sst s6  }
0xf: {  	[smem:$0x3FA8] =	sst s7  }
0x10: {  	[smem:$0x3FA9] =	sst s8  }
0x11: {  	[smem:$0x3FAA] =	sst s9;
	s0 =	simm.s32 @!p0 $0x0  }
0x12: {  	s1 =	sld [smem:$0x3F90];
	s0 =	simm.s32 @p0 $0x1  }
0x13: {  	[smem:$0x3FAB] =	sst s0;
	s0 =	simm.s32 @!p1 $0x0  }
0x14: {  	s2 =	sld [smem:$0x3F8F];
	s0 =	simm.s32 @p1 $0x1  }
0x15: {  	[smem:$0x3FAC] =	sst s0;
	s0 =	simm.s32 @!p2 $0x0  }
0x16: {  	s3 =	sld [smem:$0x3FDB];
	s0 =	simm.s32 @p2 $0x1  }
0x17: {  	s4 =	simm.s32 $0x1BF5;
	[smem:$0x3FAE] =	sst s0  }
0x18: {  	s0 =	sld [smem:$0x3F91];
	_ =	swait.ge [sflag:s4], $0x0  }
0x19: {  	s7 =	sld [smem:$0x3F92]  }
0x1a: {  	s8 =	sadd.s32 $0xFFFFE003, lr  }
0x1b: {  	s9 =	sadd.s32 $0xFFFFFEF7, lr;
	s5 =	simm.s32 $0xFFFFFFFF;
	p2 =	slt.u32 s8, $0xFFFFF086  }
0x1c: {  	p1 =	slt.u32 s9, $0xF7A;
	s5 =	simm.s32 @!p2 $0x0  }
0x1d: {  	s5 =	simm.s32 @p1 $0x1;
	p0 =	seq.s32 s7, s2  }
0x1e: {  	s7 =	smul.u32 @!p0 $0xF7A, s2;
	p2 =	seq.s32 @!p0 s5, $0x0  }
0x1f: {  	s9 =	smul.u32 $0xF7A, s1;
	s8 =	simm.s32 @!p0 $0x1BF5;
	p2 =	por !p2, p0  }
0x20: {  	[sflag:s8] =	ssyncset.s32 @!p0 $0xFFFFF086;
	s6 =	sadd.s32 @!p0 s3, s7;
	s7 =	simm.s32 @!p0 $0x108  }
0x21: {  	s3 =	sadd.s32 s3, s9;
	s6 =	sadd.s32 @!p0 $0x88, s6;
	s7 =	simm.s32 @p2 $0x1082  }
0x22: {  	[simem:s7], [sflag:s8] =	dma.local @!p0 [hbm:s6], $0xF7A  }
0x23: {  	s9 =	sor.u32 $0xD0000000, s2;
	s6 =	simm.s32 $0x108;
	_ =	swait.ge @!p0 [sflag:s8], $0x0  }
0x24: {  	s3 =	sadd.s32 $0x88, s3;
	s6 =	simm.s32 @!p1 $0x1082;
	[sflag:s4] =	ssyncset.s32 $0xFFFFF086  }
0x25: {  	[simem:s6], [sflag:s4] =	dma.local [hbm:s3], $0xF7A  }
0x26: {  	[smem:$0x3F92] =	sst s1;
	(tag) =	ssettag s2;
	_ =	strace s9  }
0x27: {  	s1 =	sld [smem:$0x3FA2]  }
0x28: {  	s2 =	sld [smem:$0x3FA3]  }
0x29: {  	s4 =	sld [smem:$0x3FA5]  }
0x2a: {  	p0 =	seq.s32 s5, $0x0;
	s5 =	sld [smem:$0x3FA6]  }
0x2b: {  	s6 =	sld [smem:$0x3FA7]  }
0x2c: {  	s7 =	sld [smem:$0x3FA8]  }
0x2d: {  	s3 =	simm.s32 $0x108;
	s8 =	sld [smem:$0x3FA9]  }
0x2e: {  	s3 =	simm.s32 @!p0 $0x1082;
	s9 =	sld [smem:$0x3FAA]  }
0x2f: {  	lr =	sadd.s32 s0, s3;
	s0 =	sld [smem:$0x3FA1]  }
0x30: {  	s3 =	sld [smem:$0x3FA4]  }
0x31: {  	[smem:$0x3FAD] =	sst s10  }
0x32: {  	s10 =	sld [smem:$0x3FAB];
	_ =	sdelay $0x3  }
0x33: {  	p0 =	seq.s32 s10, $0x1;
	s10 =	sld [smem:$0x3FAD];
	_ =	sdelay $0x3  }
0x34: {  	[smem:$0x3FAD] =	sst s10  }
0x35: {  	s10 =	sld [smem:$0x3FAC];
	_ =	sdelay $0x3  }
0x36: {  	p1 =	seq.s32 s10, $0x1;
	s10 =	sld [smem:$0x3FAD];
	_ =	sdelay $0x3  }
0x37: {  	[smem:$0x3FAD] =	sst s10  }
0x38: {  	s10 =	sld [smem:$0x3FAE]  }
0x39: {  	_ = 	snop;
	(pc) =	sbr.ind lr, $3  }
0x3a: {  	_ = 	snop  }
0x3b: {  	_ = 	snop  }
0x3c: {  	p2 =	seq.s32 s10, $0x1;
	s10 =	sld [smem:$0x3FAD]  }
0x3d: {  	_ =	shalt  }
0x3e: {  	_ =	shalt  }
0x3f: {  	_ =	shalt  }
0x40: {  	_ =	shalt  }
0x41: {  	_ =	shalt  }
0x42: {  	_ =	shalt  }
0x43: {  	_ =	shalt  }
0x44: {  	_ =	shalt  }
0x45: {  	_ =	shalt  }
0x46: {  	_ =	shalt  }
0x47: {  	_ =	shalt  }
0x48: {  	_ =	shalt  }
0x49: {  	_ =	shalt  }
0x4a: {  	_ =	shalt  }
0x4b: {  	_ =	shalt  }
0x4c: {  	_ =	shalt  }
0x4d: {  	_ =	shalt  }
0x4e: {  	_ =	shalt  }
0x4f: {  	_ =	shalt  }
0x50: {  	_ =	shalt  }
0x51: {  	_ =	shalt  }
0x52: {  	_ =	shalt  }
0x53: {  	_ =	shalt  }
0x54: {  	_ =	shalt  }
0x55: {  	_ =	shalt  }
0x56: {  	_ =	shalt  }
0x57: {  	_ =	shalt  }
0x58: {  	_ =	shalt  }
0x59: {  	_ =	shalt  }
0x5a: {  	_ =	shalt  }
0x5b: {  	_ =	shalt  }
0x5c: {  	_ =	shalt  }
0x5d: {  	_ =	shalt  }
0x5e: {  	_ =	shalt  }
0x5f: {  	_ =	shalt  }
0x60: {  	_ =	shalt  }
0x61: {  	_ =	shalt  }
0x62: {  	_ =	shalt  }
0x63: {  	_ =	shalt  }
0x64: {  	_ =	shalt  }
0x65: {  	_ =	shalt  }
0x66: {  	_ =	shalt  }
0x67: {  	_ =	shalt  }
0x68: {  	_ =	shalt  }
0x69: {  	_ =	shalt  }
0x6a: {  	_ =	shalt  }
0x6b: {  	_ =	shalt  }
0x6c: {  	_ =	shalt  }
0x6d: {  	_ =	shalt  }
0x6e: {  	_ =	shalt  }
0x6f: {  	_ =	shalt  }
0x70: {  	_ =	shalt  }
0x71: {  	_ =	shalt  }
0x72: {  	_ =	shalt  }
0x73: {  	_ =	shalt  }
0x74: {  	_ =	shalt  }
0x75: {  	_ =	shalt  }
0x76: {  	_ =	shalt  }
0x77: {  	_ =	shalt  }
0x78: {  	_ =	shalt  }
0x79: {  	_ =	shalt  }
0x7a: {  	_ =	shalt  }
0x7b: {  	_ =	shalt  }
0x7c: {  	_ =	shalt  }
0x7d: {  	_ =	shalt  }
0x7e: {  	_ =	shalt  }
0x7f: {  	_ =	shalt  }
0x80: {  	_ =	shalt  }
0x81: {  	_ =	shalt  }
0x82: {  	_ =	shalt  }
0x83: {  	_ =	shalt  }
0x84: {  	_ =	shalt  }
0x85: {  	_ =	shalt  }
0x86: {  	_ =	shalt  }
0x87: {  	_ =	shalt  }
.Lfunc_end0:
.L_simem_size_0:
called_computation_lowered:
.L_overlay_start_0:
0x88: {  	s2 =	sld [smem:$0x3FD9]  }
0x89: {  	s3 =	sld [smem:$0x3FFE];
	_ =	sdelay $0x1  }
0x8a: {  	s1 =	srdreg.scid  }
0x8b: {  	s0 =	sand.u32 $0x1, s1  }
0x8c: {  	s17 =	sshll.u32 s0, $0xA;
	s2 =	sadd.s32 s3, s2  }
0x8d: {  	s2 =	sadd.s32 s2, s17  }
0x8e: {  	[smem:$0x3FB9] =	sst s2  }
0x8f: {  	_ = 	snop  }
0x90: {  	s2 =	sld [smem:$0x3FD0];
	(tm) =	ssettm $0x1  }
0x91: {  	s18 =	sld [smem:$0x3FFB];
	_ =	sdelay $0x3  }
0x92: {  	_ =	strace s18  }
0x93: {  	s3 =	sld [smem:$0x3FFC];
	_ =	sdelay $0x3  }
0x94: {  	_ =	strace s3  }
0x95: {  	s3 =	sld [smem:$0x3FFD];
	_ =	sdelay $0x3  }
0x96: {  	_ =	strace s3  }
0x97: {  	_ =	strace $0x8FFFFFFF  }
0x98: {  	s19 =	sld [smem:$0x3FDB];
	_ =	sdelay $0x1  }
0x99: {  	s4 =	simm.s32 $_scs_section_size  }
0x9a: {  	s5 =	simm.s32 $_size__tile_overlayer_lowered;
	s6 =	simm.s32 $_tile_overlayer_lowered  }
0x9b: {  	s22 =	simm.s32 $0x1BFF;
	s21 =	sshll.u32 s6, $0x1;
	s3 =	sadd.s32 s4, s19  }
0x9c: {  	s7 =	simm.s32 $0x0;
	s20 =	sshll.u32 s5, $0x1;
	s5 =	sadd.s32 s21, s3  }
0x9d: {  	[timem:s7], [sflag:s22] =	dma.local [hbm:s5], s20  }
0x9e: {  	_ =	swait.ge [sflag:s22], s20  }
0x9f: {  	s4 =	ssub.s32 $0x0, s20;
	[sflag:s22] =	ssyncset.done $0x0  }
0xa0: {  	[sflag:s22] =	ssyncadd.s32 s4;
	_ =	sdelay $0x1  }
0xa1: {  	s23 =	simm.s32 $0x1B8B  }
0xa2: {  	_ =	swait.ge [sflag:s23], $0x1  }
0xa3: {  	[sflag:s23] =	ssyncset.done $0x0  }
0xa4: {  	s25 =	simm.s32 $0x1B8E;
	s24 =	sld [smem:$0x3FFE];
	[sflag:s23] =	ssyncadd.s32 $0xFFFFFFFF  }
0xa5: {  	s26 =	simm.s32 $execute0_lowered;
	[smem:$0x3FD2] =	sst s25  }
0xa6: {  	s5 =	sshll.u32 s26, $0x1;
	_ =	strace $0x80000046;
	[dreg:$0x1] =	wrdreg $0xFFFFFFFF  }
0xa7: {  	s28 =	simm.s32 $_size_execute0_lowered;
	s3 =	sadd.s32 s3, s5;
	[dreg:$0x0] =	wrdreg $0x0  }
0xa8: {  	s5 =	sshll.u32 s28, $0x1;
	[dreg:$0x2] =	wrdreg s3  }
0xa9: {  	[dreg:$0x3] =	wrdreg s5  }
0xaa: {  	[dreg:$0x4] =	wrdreg $0xC0  }
0xab: {  	_ =	task [dreg:s7], $0x5FFFF  }
0xac: {  	[dreg:$0x1] =	wrdreg $0xFFFFFFFF  }
0xad: {  	[dreg:$0x0] =	wrdreg $0x60  }
0xae: {  	[dreg:$0x2] =	wrdreg s24  }
0xaf: {  	[dreg:$0x3] =	wrdreg s2  }
0xb0: {  	[dreg:$0x4] =	wrdreg $0x9  }
0xb1: {  	_ =	task.clear_ibuf [dreg:s7], $0x5FFFF;
	_ =	strace $0x90000046  }
0xb2: {  	s29 =	simm.s32 $0x9;
	_ =	strace $0x80000048  }
0xb3: {  	_ =	swait.ge [sflag:s29], $0x1  }
0xb4: {  	[sflag:s29] =	ssyncadd.s32 $0xFFFFFFFF  }
0xb5: {  	_ =	strace $0x90000048  }
0xb6: {  	_ =	sfence  }
0xb7: {  	s30 =	sld [smem:$0x0];
	_ =	sdelay $0x2  }
0xb8: {  	s31 =	sshll.u32 s1, $0xD;
	s1 =	sshrl.u32 s1, $0x2  }
0xb9: {  	s3 =	sand.u32 $0x4000, s31;
	s1 =	sadd.s32 s1, s30  }
0xba: {  	s0 =	sor.u32 s3, s0;
	s1 =	sshll.u32 s1, $0x11  }
0xbb: {  	s0 =	sor.u32 s1, s0  }
0xbc: {  	s0 =	sadd.s32 $0x8F2B, s0  }
0xbd: {  	[sflag:s0] =	ssyncadd.remote.s32 $0x1  }
0xbe: {  	_ =	sfence.sel $0xFFFF  }
0xbf: {  	[dreg:$0x0] =	wrdreg $0xFFFFFFFF;
	(pc) =	sbr.abs _section_cstart, $3  }
0xc0: {  	[dreg:$0x1] =	wrdreg $0xFFFFFFFF  }
0xc1: {  	_ =	task.clear_ibuf [dreg:s7], $0x2FFFF;
	_ =	strace $0x9FFFFFFF  }
0xc2: {  	(tm) =	ssettm $0x7FFFFFFF  }
0xc3: {  	_ =	shalt  }
tec
execute0_lowered:
.L_overlay_start_1:
0x0: {  	(tag) =	ssettag $0x1  }
0x1: {  	s0 =	srdreg.scid  }
0x2: {  	s1 =	stileid.u32;
	s4 =	sand.u32 $0x1, s0  }
0x3: {  	s5 =	sor.u32 s1, s4  }
0x4: {  	p0 =	sne.s32 s5, $0x0  }
.Ltmp0:
0x5: {  	_ = 	snop;
	(pc) =	sbr.rel @p0 .LBB2_7-.Ltmp0, $4  }
0x6: {  	s6 =	rddreg [dreg:$0x0]  }
0x7: {  	s2 =	rddreg [dreg:$0x1];
	s3 =	simm.s32 $0x0  }
0x8: {  	[smem:$0x7FF] =	sst s3  }
0x9: {  	s0 =	rddreg [dreg:$0x2];
	_ =	strace $0x80000047  }
0xa: {  	v0 =	vlaneseq.u32  }
0xb: {  	v2 =	vmul.u32 $0xFFFFFFFF, v0  }
0xc: {  	s5 =	ssub.s32 $0x2, s4;
	s4 =	sadd.s32 $0x1C00, s6;
	v0 =	vmul.u32 $0x65, v0  }
0xd: {  	s6 =	sadd.s32 $0x1C10, s6;
	v1 =	vimm.f32 $0.0e+00;
	v3 =	vimm.f32 $1.000000000e+00;
	s8 =	simm.s32 $0x100;
	s9 =	simm.s32 $0x1;
	v2 =	vadd.s32 $0x5DC, v2  }
0xe: {  	s10 =	simm.s32 $0x600;
	s11 =	simm.s32 $0xC00;
	s7 =	sshrl.u32 s5, $0x1;
	v4 =	vadd.s32 $0x650, v0;
	v5 =	vadd.s32 $0xCA0, v0;
	v6 =	vadd.s32 $0x12F0, v0  }
0xf: {  	s12 =	simm.s32 $0x0;
	s5 =	ssub.s32 s5, s7;
	s7 =	simm.s32 $0x80;
	v7 =	vadd.s32 $0x1940, v0;
	v8 =	vadd.s32 $0x1F90, v0;
	v9 =	vadd.s32 $0x25E0, v0  }
.LBB2_2:
0x10: {  	s14 =	simm.s32 $0x0  }
0x11: {  	[tilespmem:s14], [sflag:$0x1] =	stream.strided.gather [hbm4b:s4+s7], $0x600, s8, s7, $0x38;
	[tilespmem:$0x3380] =	vst v63  }
0x12: {  	_ =	swait.ge [sflag:s9], $0x600  }
0x13: {  	[sflag:s9] =	ssyncset.done $0x0  }
0x14: {  	[sflag:s9] =	ssyncadd.s32 $0xFFFFFA00  }
0x15: {  	[tilespmem:s10], [sflag:$0x1] =	stream.strided.gather [hbm4b:s6+s7], $0x600, s8, s7, $0x38;
	[tilespmem:$0x3380] =	vst v63  }
0x16: {  	_ =	swait.ge [sflag:s9], $0x600  }
0x17: {  	[sflag:s9] =	ssyncset.done $0x0  }
0x18: {  	s13 =	simm.s32 $0xCC0;
	[sflag:s9] =	ssyncadd.s32 $0xFFFFFA00  }
0x19: {  	[tilespmem:s13+$0xFFFFFF40] =	vst v1  }
0x1a: {  	[tilespmem:s13+$0xFFFFFFB0] =	vst v1  }
0x1b: {  	[tilespmem:s13+$0xFFFFFFA0] =	vst v1  }
0x1c: {  	[tilespmem:s13+$0xFFFFFF90] =	vst v1  }
0x1d: {  	[tilespmem:s13+$0xFFFFFF80] =	vst v1  }
0x1e: {  	[tilespmem:s13+$0xFFFFFF70] =	vst v1  }
0x1f: {  	[tilespmem:s13+$0xFFFFFF60] =	vst v1  }
0x20: {  	s14 =	sand.u32 $0x3FF0, s14;
	[tilespmem:s13+$0xFFFFFF50] =	vst v1  }
0x21: {  	[tilespmem:s14+$0xC80] =	vst v1  }
0x22: {  	[tilespmem:s13+$0x30] =	vst v1  }
0x23: {  	[tilespmem:s13+$0x20] =	vst v1  }
0x24: {  	s15 =	simm.s32 $0x190;
	s16 =	simm.s32 $0xCC0;
	[tilespmem:s13+$0x10] =	vst v1  }
.LBB2_3:
0x25: {  	p0 =	sne.s32 s15, $0x2580  }
0x26: {  	[tilespmem:s13+$0x0] =	vst v1;
	s16 =	sadd.s32 $0x190, s16;
	s17 =	smov.u32 s15;
	s15 =	sadd.s32 $0x190, s15  }
0x27: {  	[tilespmem:s13+$0xFFFFFFF0] =	vst v1  }
0x28: {  	[tilespmem:s13+$0xFFFFFFD0] =	vst v1  }
0x29: {  	[tilespmem:s13+$0xFFFFFFE0] =	vst v1  }
0x2a: {  	[tilespmem:s14+$0xD00] =	vst v1  }
0x2b: {  	[tilespmem:s13+$0x50] =	vst v1  }
0x2c: {  	[tilespmem:s13+$0xB0] =	vst v1  }
0x2d: {  	[tilespmem:s13+$0xA0] =	vst v1  }
0x2e: {  	[tilespmem:s13+$0x90] =	vst v1  }
0x2f: {  	[tilespmem:s13+$0x80] =	vst v1  }
0x30: {  	[tilespmem:s13+$0x60] =	vst v1  }
0x31: {  	[tilespmem:s13+$0x70] =	vst v1;
	s13 =	smov.u32 s16  }
0x32: {  	[tilespmem:s14+$0xD80] =	vst v1  }
0x33: {  	[tilespmem:s16+$0xFFFFFF40] =	vst v1  }
0x34: {  	[tilespmem:s16+$0xFFFFFFB0] =	vst v1  }
0x35: {  	[tilespmem:s16+$0xFFFFFFA0] =	vst v1  }
0x36: {  	[tilespmem:s16+$0xFFFFFF90] =	vst v1  }
0x37: {  	[tilespmem:s16+$0xFFFFFF80] =	vst v1  }
0x38: {  	[tilespmem:s16+$0xFFFFFF70] =	vst v1  }
0x39: {  	[tilespmem:s16+$0xFFFFFF60] =	vst v1  }
.Ltmp1:
0x3a: {  	s14 =	sand.u32 $0x3FF0, s17;
	[tilespmem:s16+$0xFFFFFF50] =	vst v1;
	(pc) =	sbr.rel @p0 .LBB2_3-.Ltmp1, $4  }
0x3b: {  	[tilespmem:s14+$0xC80] =	vst v1  }
0x3c: {  	[tilespmem:s16+$0x30] =	vst v1  }
0x3d: {  	[tilespmem:s16+$0x20] =	vst v1  }
0x3e: {  	[tilespmem:s16+$0x10] =	vst v1  }
0x3f: {  	[tilespmem:s13+$0x0] =	vst v1  }
0x40: {  	[tilespmem:s13+$0xFFFFFFF0] =	vst v1  }
0x41: {  	[tilespmem:s13+$0xFFFFFFD0] =	vst v1  }
0x42: {  	[tilespmem:s13+$0xFFFFFFE0] =	vst v1  }
0x43: {  	[tilespmem:s14+$0xD00] =	vst v1  }
0x44: {  	[tilespmem:s13+$0x50] =	vst v1  }
0x45: {  	[tilespmem:s13+$0xB0] =	vst v1  }
0x46: {  	[tilespmem:s13+$0xA0] =	vst v1  }
0x47: {  	[tilespmem:s13+$0x90] =	vst v1  }
0x48: {  	[tilespmem:s13+$0x80] =	vst v1  }
0x49: {  	[tilespmem:s13+$0x60] =	vst v1  }
0x4a: {  	[tilespmem:s13+$0x70] =	vst v1  }
0x4b: {  	s15 =	simm.s32 $0x10;
	s13 =	simm.s32 $0x10;
	[tilespmem:s14+$0xD80] =	vst v1;
	s14 =	simm.s32 $0x610  }
.LBB2_5:
0x4c: {  	v10 =	vld [tilespmem:s14+$0xFFFFFFF0];
	_ =	sdelay $0x1  }
0x4d: {  	v11 =	vld [tilespmem:s13+$0xFFFFFFF0];
	_ =	sdelay $0x1  }
0x4e: {  	s16 =	sadd.s32 $0xFFFFFFF0, s15  }
0x4f: {  	v12 =	vmov s16;
	v10 =	vmul.u32 $0x64, v10  }
0x50: {  	vm0 =	vlt.u32 v12, v2  }
0x51: {  	v10 =	vadd.s32 v11, v10;
	_ =	sdelay $0x4  }
0x52: {  	[tilespmem:v10+s11+$0x0] =	vst.idx.add.f32.msk vm0, v3  }
0x53: {  	v10 =	vld [tilespmem:s14+$0x0];
	_ =	sdelay $0x1  }
0x54: {  	v11 =	vld [tilespmem:s13+$0x0];
	_ =	sdelay $0x2  }
0x55: {  	v63 =	vmov s15;
	v10 =	vmul.u32 $0x64, v10  }
0x56: {  	vm15 =	vlt.u32 v63, v2  }
0x57: {  	p0 =	sne.s32 s15, $0x5D0;
	v10 =	vadd.s32 v11, v10  }
.Ltmp2:
0x58: {  	_ = 	snop;
	(pc) =	sbr.rel @p0 .LBB2_5-.Ltmp2, $2  }
0x59: {  	_ =	sdelay $0x2  }
0x5a: {  	s15 =	sadd.s32 $0x20, s15;
	s13 =	sadd.s32 $0x20, s13;
	s14 =	sadd.s32 $0x20, s14;
	[tilespmem:v10+s11+$0x0] =	vst.idx.add.f32.msk vm15, v3  }
0x5b: {  	_ =	sdelay $0x3  }
0x5c: {  	[tilespmem:v0+s11+$0x0] =	vst.idx.add.f32.msk $0xffff, v3  }
0x5d: {  	[tilespmem:v4+s11+$0x0] =	vst.idx.add.f32.msk $0xffff, v3  }
0x5e: {  	[tilespmem:v5+s11+$0x0] =	vst.idx.add.f32.msk $0xffff, v3  }
0x5f: {  	[tilespmem:v6+s11+$0x0] =	vst.idx.add.f32.msk $0xffff, v3  }
0x60: {  	s12 =	sadd.s32 $0x1, s12;
	[tilespmem:v7+s11+$0x0] =	vst.idx.add.f32.msk $0xffff, v3  }
0x61: {  	p0 =	sne.s32 s12, s5;
	[tilespmem:v8+s11+$0x0] =	vst.idx.add.f32.msk $0xffff, v3  }
.Ltmp3:
0x62: {  	[tilespmem:v9+s11+$0x0] =	vst.idx.add.f32.msk $0xf, v3;
	(pc) =	sbr.rel @p0 .LBB2_2-.Ltmp3, $4  }
0x63: {  	[hbm4b:s2+s3] =	stream.linear.scatter [tilespmem:s11], [sflag:$0x1], $0x2780, $0x38;
	[tilespmem:$0x3380] =	vst v63  }
0x64: {  	_ =	swait.ge [sflag:s9], $0x2780  }
0x65: {  	[sflag:s9] =	ssyncset.done $0x0  }
0x66: {  	[sflag:s9] =	ssyncadd.s32 $0xFFFFD880  }
.LBB2_7:
0x67: {  	_ =	sfence.sel $0x180000  }
0x68: {  	[bflag:$0x0] =	sbarrier.arrive $0xFFFF  }
0x69: {  	p0 =	sne.s32 s1, $0x0;
	_ =	strace $0x90000047  }
0x6a: {  	s0 =	sadd.s32 @!p0 $0x100000, s0;
	[bflag:$0x2] =	sbarrier.arrive $0xFFFF  }
0x6b: {  	[sflag:s0] =	ssyncadd.tile.s32 @!p0 $0x1;
	_ =	shalt  }
.Lfunc_end2:
_tile_overlayer_lowered:
.L_overlay_start_2:
0x6c: {  	(tag) =	ssettag $0x2  }
0x6d: {  	s0 =	rddreg [dreg:$0x0];
	s2 =	stileid.u32  }
0x6e: {  	s1 =	rddreg [dreg:$0x1];
	p0 =	sne.s32 s2, $0x0  }
0x6f: {  	s3 =	rddreg [dreg:$0x2];
	[bflag:$0x3] =	sbarrier.arrive $0xFFFF;
	s2 =	simm.s32 @!p0 $0x1C01  }
0x70: {  	[timem:s3], [sflag:s2] =	dma.local @!p0 [hbm:s0], s1  }
0x71: {  	s0 =	simm.s32 @!p0 $0x1  }
0x72: {  	_ =	swait.ge @!p0 [sflag:s0], s1  }
0x73: {  	s1 =	ssub.s32 @!p0 $0x0, s1;
	[sflag:s0] =	ssyncset.done @!p0 $0x0  }
0x74: {  	[sflag:s0] =	ssyncadd.s32 @!p0 s1  }
0x75: {  	[bflag:$0x3] =	sbarrier.arrive $0xFFFF  }
0x76: {  	_ =	shalt  }

</sc_bundles>
